<compile_context>
chip_gen: v7x
topology: tpu7x:2x2x1
jax: 0.10.2.dev20260603
libtpu: 0.0.44.dev20260713+nightly
codegen_flags: <defaults>
</compile_context>

<pallas_src>
import functools

import jax
import jax.numpy as jnp
from jax import lax
from jax.experimental import pallas as pl
from jax.experimental.pallas import tpu as pltpu
from jax.experimental.pallas import tpu_sc as plsc

_NUM_FIELDS = 26
_VOCAB = 100000
_EMB_DIM = 32
_BATCH = 16384

_NW = 32
_OUT_CH = 4096
_NCH = _BATCH // _OUT_CH
_VPC = _OUT_CH // 128

_mesh = plsc.VectorSubcoreMesh(core_axis_name="c", subcore_axis_name="s")


@functools.partial(
    pl.kernel,
    mesh=_mesh,
    compiler_params=pltpu.CompilerParams(
        use_tc_tiling_on_sc=True, needs_layout_passes=False
    ),
    out_type=jax.ShapeDtypeStruct((_NUM_FIELDS * _EMB_DIM, _BATCH), jnp.float32),
    scratch_types=[
        pltpu.VMEM((_VOCAB,), jnp.float32),
        pltpu.VMEM((_BATCH,), jnp.int32),
        pltpu.VMEM((2, _OUT_CH), jnp.float32),
        pltpu.SemaphoreType.DMA,
        pltpu.SemaphoreType.DMA,
    ],
)
def _lookup_all(tt_hbm, xt_hbm, out_hbm, src_v, idx_v, ob_v, sem0, sem1):
    wid = lax.axis_index("s") * 2 + lax.axis_index("c")
    sems = (sem0, sem1)

    def field_body(f, _):
        pltpu.sync_copy(xt_hbm.at[f, :], idx_v)
        pltpu.sync_copy(tt_hbm.at[f, wid, :], src_v)
        c = f * _EMB_DIM + wid
        pend = [None, None]
        for h in range(_NCH):
            p = h % 2
            if pend[p] is not None:
                pend[p].wait()

            @plsc.parallel_loop(0, _OUT_CH // 16, unroll=16)
            def chunk_body(i, h=h, p=p):
                o = h * _OUT_CH + i * 16
                iv = idx_v[pl.ds(o, 16)]
                ob_v[p, pl.ds(i * 16, 16)] = plsc.load_gather(src_v, [iv])

            pend[p] = pltpu.async_copy(
                ob_v.at[p], out_hbm.at[c, pl.ds(h * _OUT_CH, _OUT_CH)], sems[p]
            )
        pend[0].wait()
        pend[1].wait()
        return 0

    lax.fori_loop(0, _NUM_FIELDS, field_body, 0)


def kernel(x, tables):
    tt = tables.transpose(0, 2, 1)
    xt = x.T
    out_t = _lookup_all(tt, xt)
    return out_t.T

# --- scband reference (transcript-rebuilt; emitter-appended) ---
"""Pipeline reference for scband-auto-embedding-16028817949002 (READ-ONLY COPY).

The authoritative reference and input builder live on the scoring server;
editing this copy changes nothing except your own understanding.
"""

import jax, jax.numpy as jnp
import numpy as np

NUM_FIELDS = 26
VOCAB = 100000
EMB_DIM = 32
BATCH = 16384


def setup_inputs(seed: int = 0) -> dict:
    key = jax.random.key(seed)
    k_x, k_t = jax.random.split(key)
    x = jax.random.randint(k_x, (BATCH, NUM_FIELDS), 0, VOCAB, dtype=jnp.int32)
    # 26 embedding tables, all [VOCAB, 32]; stacked into one array since
    # get_embedding_dim is constant (32) for every feature.
    tables = jax.random.normal(k_t, (NUM_FIELDS, VOCAB, EMB_DIM), dtype=jnp.float32) * 0.02
    return {"x": x, "tables": tables}


def reference(x, tables):
    # Faithful translation of AutoEmbedding.forward with defaults:
    # auto_split=False, auto_type=True (x already int), return_concat=True.
    result = []
    for column_idx in range(NUM_FIELDS):
        idx = x[:, column_idx]
        result.append(jnp.take(tables[column_idx], idx, axis=0))
    return jnp.concatenate(result, axis=1)

if __name__ == "__main__":
    import jax
    _d = setup_inputs()
    print(jax.jit(kernel)(*tuple(_d.values())))

</pallas_src>

<mosaic_0001>
#map = affine_map<(d0, d1) -> (0, 0, 0)>
#map1 = affine_map<(d0, d1) -> (0, 0)>
module attributes {stable_mosaic.version = 14 : i64} {
  func.func @_lookup_all(%arg0: i32, %arg1: i32, %arg2: memref<26x32x100000xf32, #tpu.memory_space<hbm>>, %arg3: memref<26x16384xi32, #tpu.memory_space<hbm>>, %arg4: memref<832x16384xf32, #tpu.memory_space<hbm>>, %arg5: memref<100000xf32, #tpu.memory_space<vmem>>, %arg6: memref<16384xi32, #tpu.memory_space<vmem>>, %arg7: memref<2x4096xf32, #tpu.memory_space<vmem>>, %arg8: memref<!tpu.dma_semaphore, #tpu.memory_space<semaphore_mem>>, %arg9: memref<!tpu.dma_semaphore, #tpu.memory_space<semaphore_mem>>) attributes {dimension_semantics = [#tpu.dimension_semantics<core_parallel>, #tpu.dimension_semantics<subcore_parallel>], iteration_bounds = array<i64: 2, 16>, scalar_prefetch = 0 : i64, scratch_operands = 5 : i64, tpu.core_type = #tpu.core_type<sc_vector_subcore>, window_params = [{transform_indices = #map}, {transform_indices = #map1}, {transform_indices = #map1}]} {
    %mul3A = arith.constant 2 : i32
    %mul3A_0 = arith.muli %arg1, %mul3A : i32
    %add3A = arith.addi %mul3A_0, %arg0 : i32
    %scan3A = arith.constant 0 : i32
    %scan3A_1 = arith.constant 0 : i32
    %scan3A_2 = arith.constant 26 : i32
    %scan3A_3 = arith.addi %scan3A_1, %scan3A_2 : i32
    %scan3A_4 = arith.constant 1 : i32
    %scan3A_5 = scf.for %scan3A_7 = %scan3A_1 to %scan3A_3 step %scan3A_4 iter_args(%scan3A_8 = %scan3A) -> (i32)  : i32 {
      "tpu.region"() ({
        %run_scoped3A = tpu.sem_alloc : memref<!tpu.dma_semaphore, #tpu.memory_space<semaphore_mem>>
        %dma_start3A_126 = arith.constant 0 : i32
        %dma_start3A_127 = tpu.memref_slice %arg3[%scan3A_7, %dma_start3A_126] : memref<26x16384xi32, #tpu.memory_space<hbm>> -> memref<1x16384xi32, #tpu.memory_space<hbm>>
        %dma_start3A_128 = tpu.memref_squeeze %dma_start3A_127 : memref<1x16384xi32, #tpu.memory_space<hbm>> -> memref<16384xi32, #tpu.memory_space<hbm>>
        %dma_start3A_129 = arith.constant 0 : i32
        %dma_start3A_130 = tpu.memref_slice %arg3[%scan3A_7, %dma_start3A_129] : memref<26x16384xi32, #tpu.memory_space<hbm>> -> memref<1x16384xi32, #tpu.memory_space<hbm>>
        %dma_start3A_131 = tpu.memref_squeeze %dma_start3A_130 : memref<1x16384xi32, #tpu.memory_space<hbm>> -> memref<16384xi32, #tpu.memory_space<hbm>>
        tpu.enqueue_dma source(%dma_start3A_131 : memref<16384xi32, #tpu.memory_space<hbm>>) target(%arg6 : memref<16384xi32, #tpu.memory_space<vmem>>) target_semaphore(%run_scoped3A : memref<!tpu.dma_semaphore, #tpu.memory_space<semaphore_mem>>)
        %dma_wait3A_132 = arith.constant 0 : i32
        %dma_wait3A_133 = tpu.memref_slice %arg3[%scan3A_7, %dma_wait3A_132] : memref<26x16384xi32, #tpu.memory_space<hbm>> -> memref<1x16384xi32, #tpu.memory_space<hbm>>
        %dma_wait3A_134 = tpu.memref_squeeze %dma_wait3A_133 : memref<1x16384xi32, #tpu.memory_space<hbm>> -> memref<16384xi32, #tpu.memory_space<hbm>>
        %dma_wait3A_135 = arith.constant 0 : i32
        %dma_wait3A_136 = tpu.memref_slice %arg3[%scan3A_7, %dma_wait3A_135] : memref<26x16384xi32, #tpu.memory_space<hbm>> -> memref<1x16384xi32, #tpu.memory_space<hbm>>
        %dma_wait3A_137 = tpu.memref_squeeze %dma_wait3A_136 : memref<1x16384xi32, #tpu.memory_space<hbm>> -> memref<16384xi32, #tpu.memory_space<hbm>>
        tpu.wait_dma2 semaphore(%run_scoped3A : memref<!tpu.dma_semaphore, #tpu.memory_space<semaphore_mem>>) src(%dma_wait3A_137 : memref<16384xi32, #tpu.memory_space<hbm>>) dst(%arg6 : memref<16384xi32, #tpu.memory_space<vmem>>)
        tpu.yield
      }) : () -> ()
      "tpu.region"() ({
        %run_scoped3A = tpu.sem_alloc : memref<!tpu.dma_semaphore, #tpu.memory_space<semaphore_mem>>
        %dma_start3A_126 = arith.constant 0 : i32
        %dma_start3A_127 = tpu.memref_slice %arg2[%scan3A_7, %add3A, %dma_start3A_126] : memref<26x32x100000xf32, #tpu.memory_space<hbm>> -> memref<1x1x100000xf32, #tpu.memory_space<hbm>>
        %dma_start3A_128 = tpu.memref_squeeze %dma_start3A_127 : memref<1x1x100000xf32, #tpu.memory_space<hbm>> -> memref<100000xf32, #tpu.memory_space<hbm>>
        %dma_start3A_129 = arith.constant 0 : i32
        %dma_start3A_130 = tpu.memref_slice %arg2[%scan3A_7, %add3A, %dma_start3A_129] : memref<26x32x100000xf32, #tpu.memory_space<hbm>> -> memref<1x1x100000xf32, #tpu.memory_space<hbm>>
        %dma_start3A_131 = tpu.memref_squeeze %dma_start3A_130 : memref<1x1x100000xf32, #tpu.memory_space<hbm>> -> memref<100000xf32, #tpu.memory_space<hbm>>
        tpu.enqueue_dma source(%dma_start3A_131 : memref<100000xf32, #tpu.memory_space<hbm>>) target(%arg5 : memref<100000xf32, #tpu.memory_space<vmem>>) target_semaphore(%run_scoped3A : memref<!tpu.dma_semaphore, #tpu.memory_space<semaphore_mem>>)
        %dma_wait3A_132 = arith.constant 0 : i32
        %dma_wait3A_133 = tpu.memref_slice %arg2[%scan3A_7, %add3A, %dma_wait3A_132] : memref<26x32x100000xf32, #tpu.memory_space<hbm>> -> memref<1x1x100000xf32, #tpu.memory_space<hbm>>
        %dma_wait3A_134 = tpu.memref_squeeze %dma_wait3A_133 : memref<1x1x100000xf32, #tpu.memory_space<hbm>> -> memref<100000xf32, #tpu.memory_space<hbm>>
        %dma_wait3A_135 = arith.constant 0 : i32
        %dma_wait3A_136 = tpu.memref_slice %arg2[%scan3A_7, %add3A, %dma_wait3A_135] : memref<26x32x100000xf32, #tpu.memory_space<hbm>> -> memref<1x1x100000xf32, #tpu.memory_space<hbm>>
        %dma_wait3A_137 = tpu.memref_squeeze %dma_wait3A_136 : memref<1x1x100000xf32, #tpu.memory_space<hbm>> -> memref<100000xf32, #tpu.memory_space<hbm>>
        tpu.wait_dma2 semaphore(%run_scoped3A : memref<!tpu.dma_semaphore, #tpu.memory_space<semaphore_mem>>) src(%dma_wait3A_137 : memref<100000xf32, #tpu.memory_space<hbm>>) dst(%arg5 : memref<100000xf32, #tpu.memory_space<vmem>>)
        tpu.yield
      }) : () -> ()
      %mul3A_9 = arith.constant 32 : i32
      %mul3A_10 = arith.muli %scan3A_7, %mul3A_9 : i32
      %add3A_11 = arith.addi %mul3A_10, %add3A : i32
      %parallel_loop3A = arith.constant 0 : i32
      %parallel_loop3A_12 = arith.constant 256 : i32
      %parallel_loop3A_13 = arith.constant 1 : i32
      scf.for %parallel_loop3A_126 = %parallel_loop3A to %parallel_loop3A_12 step %parallel_loop3A_13  : i32 {
        %parallel_loop3A_127 = arith.constant 16 : i32
        %parallel_loop3A_128 = arith.muli %parallel_loop3A_126, %parallel_loop3A_127 : i32
        %parallel_loop3A_129 = arith.constant 0 : i32
        %parallel_loop3A_130 = arith.addi %parallel_loop3A_129, %parallel_loop3A_128 : i32
        %parallel_loop3A_131 = arith.index_cast %parallel_loop3A_130 : i32 to index
        %parallel_loop3A_132 = tpu.vector_load %arg6[%parallel_loop3A_131] {strides = array<i32>} : memref<16384xi32, #tpu.memory_space<vmem>>, vector<16xi32>,
        %parallel_loop3A_133 = tpu.vector_load_idx %arg5[%parallel_loop3A_132] : memref<100000xf32, #tpu.memory_space<vmem>>[vector<16xi32>], vector<16xf32>,
        %parallel_loop3A_134 = arith.constant 16 : i32
        %parallel_loop3A_135 = arith.muli %parallel_loop3A_126, %parallel_loop3A_134 : i32
        %parallel_loop3A_136 = arith.constant 0 : i32
        %parallel_loop3A_137 = arith.index_cast %parallel_loop3A_136 : i32 to index
        %parallel_loop3A_138 = arith.index_cast %parallel_loop3A_135 : i32 to index
        %parallel_loop3A_139 = tpu.vector_load %arg7[%parallel_loop3A_137, %parallel_loop3A_138] {strides = array<i32>} : memref<2x4096xf32, #tpu.memory_space<vmem>>, vector<16xf32>,
        tpu.vector_store %arg7[%parallel_loop3A_137, %parallel_loop3A_138], %parallel_loop3A_133 {strides = array<i32>} : memref<2x4096xf32, #tpu.memory_space<vmem>>, vector<16xf32>,
      } {sc.loop_unroll_factor = 16 : i64, sc.parallel_access}
      %dma_start3A = arith.constant 0 : i32
      %dma_start3A_14 = arith.constant 0 : i32
      %dma_start3A_15 = tpu.memref_slice %arg7[%dma_start3A, %dma_start3A_14] : memref<2x4096xf32, #tpu.memory_space<vmem>> -> memref<1x4096xf32, #tpu.memory_space<vmem>>
      %dma_start3A_16 = tpu.memref_squeeze %dma_start3A_15 : memref<1x4096xf32, #tpu.memory_space<vmem>> -> memref<4096xf32, #tpu.memory_space<vmem>>
      %dma_start3A_17 = arith.constant 0 : i32
      %dma_start3A_18 = tpu.memref_slice %arg4[%add3A_11, %dma_start3A_17] : memref<832x16384xf32, #tpu.memory_space<hbm>> -> memref<1x4096xf32, #tpu.memory_space<hbm>>
      %dma_start3A_19 = tpu.memref_squeeze %dma_start3A_18 : memref<1x4096xf32, #tpu.memory_space<hbm>> -> memref<4096xf32, #tpu.memory_space<hbm>>
      %dma_start3A_20 = arith.constant 0 : i32
      %dma_start3A_21 = tpu.memref_slice %arg4[%add3A_11, %dma_start3A_20] : memref<832x16384xf32, #tpu.memory_space<hbm>> -> memref<1x4096xf32, #tpu.memory_space<hbm>>
      %dma_start3A_22 = tpu.memref_squeeze %dma_start3A_21 : memref<1x4096xf32, #tpu.memory_space<hbm>> -> memref<4096xf32, #tpu.memory_space<hbm>>
      %dma_start3A_23 = arith.constant 0 : i32
      %dma_start3A_24 = tpu.memref_slice %arg7[%dma_start3A, %dma_start3A_23] : memref<2x4096xf32, #tpu.memory_space<vmem>> -> memref<1x4096xf32, #tpu.memory_space<vmem>>
      %dma_start3A_25 = tpu.memref_squeeze %dma_start3A_24 : memref<1x4096xf32, #tpu.memory_space<vmem>> -> memref<4096xf32, #tpu.memory_space<vmem>>
      tpu.enqueue_dma source(%dma_start3A_25 : memref<4096xf32, #tpu.memory_space<vmem>>) target(%dma_start3A_22 : memref<4096xf32, #tpu.memory_space<hbm>>) target_semaphore(%arg8 : memref<!tpu.dma_semaphore, #tpu.memory_space<semaphore_mem>>)
      %parallel_loop3A_26 = arith.constant 0 : i32
      %parallel_loop3A_27 = arith.constant 256 : i32
      %parallel_loop3A_28 = arith.constant 1 : i32
      scf.for %parallel_loop3A_126 = %parallel_loop3A_26 to %parallel_loop3A_27 step %parallel_loop3A_28  : i32 {
        %parallel_loop3A_127 = arith.constant 16 : i32
        %parallel_loop3A_128 = arith.muli %parallel_loop3A_126, %parallel_loop3A_127 : i32
        %parallel_loop3A_129 = arith.constant 4096 : i32
        %parallel_loop3A_130 = arith.addi %parallel_loop3A_129, %parallel_loop3A_128 : i32
        %parallel_loop3A_131 = arith.index_cast %parallel_loop3A_130 : i32 to index
        %parallel_loop3A_132 = tpu.vector_load %arg6[%parallel_loop3A_131] {strides = array<i32>} : memref<16384xi32, #tpu.memory_space<vmem>>, vector<16xi32>,
        %parallel_loop3A_133 = tpu.vector_load_idx %arg5[%parallel_loop3A_132] : memref<100000xf32, #tpu.memory_space<vmem>>[vector<16xi32>], vector<16xf32>,
        %parallel_loop3A_134 = arith.constant 16 : i32
        %parallel_loop3A_135 = arith.muli %parallel_loop3A_126, %parallel_loop3A_134 : i32
        %parallel_loop3A_136 = arith.constant 1 : i32
        %parallel_loop3A_137 = arith.index_cast %parallel_loop3A_136 : i32 to index
        %parallel_loop3A_138 = arith.index_cast %parallel_loop3A_135 : i32 to index
        %parallel_loop3A_139 = tpu.vector_load %arg7[%parallel_loop3A_137, %parallel_loop3A_138] {strides = array<i32>} : memref<2x4096xf32, #tpu.memory_space<vmem>>, vector<16xf32>,
        tpu.vector_store %arg7[%parallel_loop3A_137, %parallel_loop3A_138], %parallel_loop3A_133 {strides = array<i32>} : memref<2x4096xf32, #tpu.memory_space<vmem>>, vector<16xf32>,
      } {sc.loop_unroll_factor = 16 : i64, sc.parallel_access}
      %dma_start3A_29 = arith.constant 1 : i32
      %dma_start3A_30 = arith.constant 0 : i32
      %dma_start3A_31 = tpu.memref_slice %arg7[%dma_start3A_29, %dma_start3A_30] : memref<2x4096xf32, #tpu.memory_space<vmem>> -> memref<1x4096xf32, #tpu.memory_space<vmem>>
      %dma_start3A_32 = tpu.memref_squeeze %dma_start3A_31 : memref<1x4096xf32, #tpu.memory_space<vmem>> -> memref<4096xf32, #tpu.memory_space<vmem>>
      %dma_start3A_33 = arith.constant 4096 : i32
      %dma_start3A_34 = tpu.memref_slice %arg4[%add3A_11, %dma_start3A_33] : memref<832x16384xf32, #tpu.memory_space<hbm>> -> memref<1x4096xf32, #tpu.memory_space<hbm>>
      %dma_start3A_35 = tpu.memref_squeeze %dma_start3A_34 : memref<1x4096xf32, #tpu.memory_space<hbm>> -> memref<4096xf32, #tpu.memory_space<hbm>>
      %dma_start3A_36 = arith.constant 4096 : i32
      %dma_start3A_37 = tpu.memref_slice %arg4[%add3A_11, %dma_start3A_36] : memref<832x16384xf32, #tpu.memory_space<hbm>> -> memref<1x4096xf32, #tpu.memory_space<hbm>>
      %dma_start3A_38 = tpu.memref_squeeze %dma_start3A_37 : memref<1x4096xf32, #tpu.memory_space<hbm>> -> memref<4096xf32, #tpu.memory_space<hbm>>
      %dma_start3A_39 = arith.constant 0 : i32
      %dma_start3A_40 = tpu.memref_slice %arg7[%dma_start3A_29, %dma_start3A_39] : memref<2x4096xf32, #tpu.memory_space<vmem>> -> memref<1x4096xf32, #tpu.memory_space<vmem>>
      %dma_start3A_41 = tpu.memref_squeeze %dma_start3A_40 : memref<1x4096xf32, #tpu.memory_space<vmem>> -> memref<4096xf32, #tpu.memory_space<vmem>>
      tpu.enqueue_dma source(%dma_start3A_41 : memref<4096xf32, #tpu.memory_space<vmem>>) target(%dma_start3A_38 : memref<4096xf32, #tpu.memory_space<hbm>>) target_semaphore(%arg9 : memref<!tpu.dma_semaphore, #tpu.memory_space<semaphore_mem>>)
      %dma_wait3A = arith.constant 0 : i32
      %dma_wait3A_42 = arith.constant 0 : i32
      %dma_wait3A_43 = tpu.memref_slice %arg7[%dma_wait3A, %dma_wait3A_42] : memref<2x4096xf32, #tpu.memory_space<vmem>> -> memref<1x4096xf32, #tpu.memory_space<vmem>>
      %dma_wait3A_44 = tpu.memref_squeeze %dma_wait3A_43 : memref<1x4096xf32, #tpu.memory_space<vmem>> -> memref<4096xf32, #tpu.memory_space<vmem>>
      %dma_wait3A_45 = arith.constant 0 : i32
      %dma_wait3A_46 = tpu.memref_slice %arg4[%add3A_11, %dma_wait3A_45] : memref<832x16384xf32, #tpu.memory_space<hbm>> -> memref<1x4096xf32, #tpu.memory_space<hbm>>
      %dma_wait3A_47 = tpu.memref_squeeze %dma_wait3A_46 : memref<1x4096xf32, #tpu.memory_space<hbm>> -> memref<4096xf32, #tpu.memory_space<hbm>>
      %dma_wait3A_48 = arith.constant 0 : i32
      %dma_wait3A_49 = tpu.memref_slice %arg4[%add3A_11, %dma_wait3A_48] : memref<832x16384xf32, #tpu.memory_space<hbm>> -> memref<1x4096xf32, #tpu.memory_space<hbm>>
      %dma_wait3A_50 = tpu.memref_squeeze %dma_wait3A_49 : memref<1x4096xf32, #tpu.memory_space<hbm>> -> memref<4096xf32, #tpu.memory_space<hbm>>
      %dma_wait3A_51 = arith.constant 0 : i32
      %dma_wait3A_52 = tpu.memref_slice %arg7[%dma_wait3A, %dma_wait3A_51] : memref<2x4096xf32, #tpu.memory_space<vmem>> -> memref<1x4096xf32, #tpu.memory_space<vmem>>
      %dma_wait3A_53 = tpu.memref_squeeze %dma_wait3A_52 : memref<1x4096xf32, #tpu.memory_space<vmem>> -> memref<4096xf32, #tpu.memory_space<vmem>>
      tpu.wait_dma2 semaphore(%arg8 : memref<!tpu.dma_semaphore, #tpu.memory_space<semaphore_mem>>) src(%dma_wait3A_53 : memref<4096xf32, #tpu.memory_space<vmem>>) dst(%dma_wait3A_50 : memref<4096xf32, #tpu.memory_space<hbm>>)
      %parallel_loop3A_54 = arith.constant 0 : i32
      %parallel_loop3A_55 = arith.constant 256 : i32
      %parallel_loop3A_56 = arith.constant 1 : i32
      scf.for %parallel_loop3A_126 = %parallel_loop3A_54 to %parallel_loop3A_55 step %parallel_loop3A_56  : i32 {
        %parallel_loop3A_127 = arith.constant 16 : i32
        %parallel_loop3A_128 = arith.muli %parallel_loop3A_126, %parallel_loop3A_127 : i32
        %parallel_loop3A_129 = arith.constant 8192 : i32
        %parallel_loop3A_130 = arith.addi %parallel_loop3A_129, %parallel_loop3A_128 : i32
        %parallel_loop3A_131 = arith.index_cast %parallel_loop3A_130 : i32 to index
        %parallel_loop3A_132 = tpu.vector_load %arg6[%parallel_loop3A_131] {strides = array<i32>} : memref<16384xi32, #tpu.memory_space<vmem>>, vector<16xi32>,
        %parallel_loop3A_133 = tpu.vector_load_idx %arg5[%parallel_loop3A_132] : memref<100000xf32, #tpu.memory_space<vmem>>[vector<16xi32>], vector<16xf32>,
        %parallel_loop3A_134 = arith.constant 16 : i32
        %parallel_loop3A_135 = arith.muli %parallel_loop3A_126, %parallel_loop3A_134 : i32
        %parallel_loop3A_136 = arith.constant 0 : i32
        %parallel_loop3A_137 = arith.index_cast %parallel_loop3A_136 : i32 to index
        %parallel_loop3A_138 = arith.index_cast %parallel_loop3A_135 : i32 to index
        %parallel_loop3A_139 = tpu.vector_load %arg7[%parallel_loop3A_137, %parallel_loop3A_138] {strides = array<i32>} : memref<2x4096xf32, #tpu.memory_space<vmem>>, vector<16xf32>,
        tpu.vector_store %arg7[%parallel_loop3A_137, %parallel_loop3A_138], %parallel_loop3A_133 {strides = array<i32>} : memref<2x4096xf32, #tpu.memory_space<vmem>>, vector<16xf32>,
      } {sc.loop_unroll_factor = 16 : i64, sc.parallel_access}
      %dma_start3A_57 = arith.constant 0 : i32
      %dma_start3A_58 = arith.constant 0 : i32
      %dma_start3A_59 = tpu.memref_slice %arg7[%dma_start3A_57, %dma_start3A_58] : memref<2x4096xf32, #tpu.memory_space<vmem>> -> memref<1x4096xf32, #tpu.memory_space<vmem>>
      %dma_start3A_60 = tpu.memref_squeeze %dma_start3A_59 : memref<1x4096xf32, #tpu.memory_space<vmem>> -> memref<4096xf32, #tpu.memory_space<vmem>>
      %dma_start3A_61 = arith.constant 8192 : i32
      %dma_start3A_62 = tpu.memref_slice %arg4[%add3A_11, %dma_start3A_61] : memref<832x16384xf32, #tpu.memory_space<hbm>> -> memref<1x4096xf32, #tpu.memory_space<hbm>>
      %dma_start3A_63 = tpu.memref_squeeze %dma_start3A_62 : memref<1x4096xf32, #tpu.memory_space<hbm>> -> memref<4096xf32, #tpu.memory_space<hbm>>
      %dma_start3A_64 = arith.constant 8192 : i32
      %dma_start3A_65 = tpu.memref_slice %arg4[%add3A_11, %dma_start3A_64] : memref<832x16384xf32, #tpu.memory_space<hbm>> -> memref<1x4096xf32, #tpu.memory_space<hbm>>
      %dma_start3A_66 = tpu.memref_squeeze %dma_start3A_65 : memref<1x4096xf32, #tpu.memory_space<hbm>> -> memref<4096xf32, #tpu.memory_space<hbm>>
      %dma_start3A_67 = arith.constant 0 : i32
      %dma_start3A_68 = tpu.memref_slice %arg7[%dma_start3A_57, %dma_start3A_67] : memref<2x4096xf32, #tpu.memory_space<vmem>> -> memref<1x4096xf32, #tpu.memory_space<vmem>>
      %dma_start3A_69 = tpu.memref_squeeze %dma_start3A_68 : memref<1x4096xf32, #tpu.memory_space<vmem>> -> memref<4096xf32, #tpu.memory_space<vmem>>
      tpu.enqueue_dma source(%dma_start3A_69 : memref<4096xf32, #tpu.memory_space<vmem>>) target(%dma_start3A_66 : memref<4096xf32, #tpu.memory_space<hbm>>) target_semaphore(%arg8 : memref<!tpu.dma_semaphore, #tpu.memory_space<semaphore_mem>>)
      %dma_wait3A_70 = arith.constant 1 : i32
      %dma_wait3A_71 = arith.constant 0 : i32
      %dma_wait3A_72 = tpu.memref_slice %arg7[%dma_wait3A_70, %dma_wait3A_71] : memref<2x4096xf32, #tpu.memory_space<vmem>> -> memref<1x4096xf32, #tpu.memory_space<vmem>>
      %dma_wait3A_73 = tpu.memref_squeeze %dma_wait3A_72 : memref<1x4096xf32, #tpu.memory_space<vmem>> -> memref<4096xf32, #tpu.memory_space<vmem>>
      %dma_wait3A_74 = arith.constant 4096 : i32
      %dma_wait3A_75 = tpu.memref_slice %arg4[%add3A_11, %dma_wait3A_74] : memref<832x16384xf32, #tpu.memory_space<hbm>> -> memref<1x4096xf32, #tpu.memory_space<hbm>>
      %dma_wait3A_76 = tpu.memref_squeeze %dma_wait3A_75 : memref<1x4096xf32, #tpu.memory_space<hbm>> -> memref<4096xf32, #tpu.memory_space<hbm>>
      %dma_wait3A_77 = arith.constant 4096 : i32
      %dma_wait3A_78 = tpu.memref_slice %arg4[%add3A_11, %dma_wait3A_77] : memref<832x16384xf32, #tpu.memory_space<hbm>> -> memref<1x4096xf32, #tpu.memory_space<hbm>>
      %dma_wait3A_79 = tpu.memref_squeeze %dma_wait3A_78 : memref<1x4096xf32, #tpu.memory_space<hbm>> -> memref<4096xf32, #tpu.memory_space<hbm>>
      %dma_wait3A_80 = arith.constant 0 : i32
      %dma_wait3A_81 = tpu.memref_slice %arg7[%dma_wait3A_70, %dma_wait3A_80] : memref<2x4096xf32, #tpu.memory_space<vmem>> -> memref<1x4096xf32, #tpu.memory_space<vmem>>
      %dma_wait3A_82 = tpu.memref_squeeze %dma_wait3A_81 : memref<1x4096xf32, #tpu.memory_space<vmem>> -> memref<4096xf32, #tpu.memory_space<vmem>>
      tpu.wait_dma2 semaphore(%arg9 : memref<!tpu.dma_semaphore, #tpu.memory_space<semaphore_mem>>) src(%dma_wait3A_82 : memref<4096xf32, #tpu.memory_space<vmem>>) dst(%dma_wait3A_79 : memref<4096xf32, #tpu.memory_space<hbm>>)
      %parallel_loop3A_83 = arith.constant 0 : i32
      %parallel_loop3A_84 = arith.constant 256 : i32
      %parallel_loop3A_85 = arith.constant 1 : i32
      scf.for %parallel_loop3A_126 = %parallel_loop3A_83 to %parallel_loop3A_84 step %parallel_loop3A_85  : i32 {
        %parallel_loop3A_127 = arith.constant 16 : i32
        %parallel_loop3A_128 = arith.muli %parallel_loop3A_126, %parallel_loop3A_127 : i32
        %parallel_loop3A_129 = arith.constant 12288 : i32
        %parallel_loop3A_130 = arith.addi %parallel_loop3A_129, %parallel_loop3A_128 : i32
        %parallel_loop3A_131 = arith.index_cast %parallel_loop3A_130 : i32 to index
        %parallel_loop3A_132 = tpu.vector_load %arg6[%parallel_loop3A_131] {strides = array<i32>} : memref<16384xi32, #tpu.memory_space<vmem>>, vector<16xi32>,
        %parallel_loop3A_133 = tpu.vector_load_idx %arg5[%parallel_loop3A_132] : memref<100000xf32, #tpu.memory_space<vmem>>[vector<16xi32>], vector<16xf32>,
        %parallel_loop3A_134 = arith.constant 16 : i32
        %parallel_loop3A_135 = arith.muli %parallel_loop3A_126, %parallel_loop3A_134 : i32
        %parallel_loop3A_136 = arith.constant 1 : i32
        %parallel_loop3A_137 = arith.index_cast %parallel_loop3A_136 : i32 to index
        %parallel_loop3A_138 = arith.index_cast %parallel_loop3A_135 : i32 to index
        %parallel_loop3A_139 = tpu.vector_load %arg7[%parallel_loop3A_137, %parallel_loop3A_138] {strides = array<i32>} : memref<2x4096xf32, #tpu.memory_space<vmem>>, vector<16xf32>,
        tpu.vector_store %arg7[%parallel_loop3A_137, %parallel_loop3A_138], %parallel_loop3A_133 {strides = array<i32>} : memref<2x4096xf32, #tpu.memory_space<vmem>>, vector<16xf32>,
      } {sc.loop_unroll_factor = 16 : i64, sc.parallel_access}
      %dma_start3A_86 = arith.constant 1 : i32
      %dma_start3A_87 = arith.constant 0 : i32
      %dma_start3A_88 = tpu.memref_slice %arg7[%dma_start3A_86, %dma_start3A_87] : memref<2x4096xf32, #tpu.memory_space<vmem>> -> memref<1x4096xf32, #tpu.memory_space<vmem>>
      %dma_start3A_89 = tpu.memref_squeeze %dma_start3A_88 : memref<1x4096xf32, #tpu.memory_space<vmem>> -> memref<4096xf32, #tpu.memory_space<vmem>>
      %dma_start3A_90 = arith.constant 12288 : i32
      %dma_start3A_91 = tpu.memref_slice %arg4[%add3A_11, %dma_start3A_90] : memref<832x16384xf32, #tpu.memory_space<hbm>> -> memref<1x4096xf32, #tpu.memory_space<hbm>>
      %dma_start3A_92 = tpu.memref_squeeze %dma_start3A_91 : memref<1x4096xf32, #tpu.memory_space<hbm>> -> memref<4096xf32, #tpu.memory_space<hbm>>
      %dma_start3A_93 = arith.constant 12288 : i32
      %dma_start3A_94 = tpu.memref_slice %arg4[%add3A_11, %dma_start3A_93] : memref<832x16384xf32, #tpu.memory_space<hbm>> -> memref<1x4096xf32, #tpu.memory_space<hbm>>
      %dma_start3A_95 = tpu.memref_squeeze %dma_start3A_94 : memref<1x4096xf32, #tpu.memory_space<hbm>> -> memref<4096xf32, #tpu.memory_space<hbm>>
      %dma_start3A_96 = arith.constant 0 : i32
      %dma_start3A_97 = tpu.memref_slice %arg7[%dma_start3A_86, %dma_start3A_96] : memref<2x4096xf32, #tpu.memory_space<vmem>> -> memref<1x4096xf32, #tpu.memory_space<vmem>>
      %dma_start3A_98 = tpu.memref_squeeze %dma_start3A_97 : memref<1x4096xf32, #tpu.memory_space<vmem>> -> memref<4096xf32, #tpu.memory_space<vmem>>
      tpu.enqueue_dma source(%dma_start3A_98 : memref<4096xf32, #tpu.memory_space<vmem>>) target(%dma_start3A_95 : memref<4096xf32, #tpu.memory_space<hbm>>) target_semaphore(%arg9 : memref<!tpu.dma_semaphore, #tpu.memory_space<semaphore_mem>>)
      %dma_wait3A_99 = arith.constant 0 : i32
      %dma_wait3A_100 = arith.constant 0 : i32
      %dma_wait3A_101 = tpu.memref_slice %arg7[%dma_wait3A_99, %dma_wait3A_100] : memref<2x4096xf32, #tpu.memory_space<vmem>> -> memref<1x4096xf32, #tpu.memory_space<vmem>>
      %dma_wait3A_102 = tpu.memref_squeeze %dma_wait3A_101 : memref<1x4096xf32, #tpu.memory_space<vmem>> -> memref<4096xf32, #tpu.memory_space<vmem>>
      %dma_wait3A_103 = arith.constant 8192 : i32
      %dma_wait3A_104 = tpu.memref_slice %arg4[%add3A_11, %dma_wait3A_103] : memref<832x16384xf32, #tpu.memory_space<hbm>> -> memref<1x4096xf32, #tpu.memory_space<hbm>>
      %dma_wait3A_105 = tpu.memref_squeeze %dma_wait3A_104 : memref<1x4096xf32, #tpu.memory_space<hbm>> -> memref<4096xf32, #tpu.memory_space<hbm>>
      %dma_wait3A_106 = arith.constant 8192 : i32
      %dma_wait3A_107 = tpu.memref_slice %arg4[%add3A_11, %dma_wait3A_106] : memref<832x16384xf32, #tpu.memory_space<hbm>> -> memref<1x4096xf32, #tpu.memory_space<hbm>>
      %dma_wait3A_108 = tpu.memref_squeeze %dma_wait3A_107 : memref<1x4096xf32, #tpu.memory_space<hbm>> -> memref<4096xf32, #tpu.memory_space<hbm>>
      %dma_wait3A_109 = arith.constant 0 : i32
      %dma_wait3A_110 = tpu.memref_slice %arg7[%dma_wait3A_99, %dma_wait3A_109] : memref<2x4096xf32, #tpu.memory_space<vmem>> -> memref<1x4096xf32, #tpu.memory_space<vmem>>
      %dma_wait3A_111 = tpu.memref_squeeze %dma_wait3A_110 : memref<1x4096xf32, #tpu.memory_space<vmem>> -> memref<4096xf32, #tpu.memory_space<vmem>>
      tpu.wait_dma2 semaphore(%arg8 : memref<!tpu.dma_semaphore, #tpu.memory_space<semaphore_mem>>) src(%dma_wait3A_111 : memref<4096xf32, #tpu.memory_space<vmem>>) dst(%dma_wait3A_108 : memref<4096xf32, #tpu.memory_space<hbm>>)
      %dma_wait3A_112 = arith.constant 1 : i32
      %dma_wait3A_113 = arith.constant 0 : i32
      %dma_wait3A_114 = tpu.memref_slice %arg7[%dma_wait3A_112, %dma_wait3A_113] : memref<2x4096xf32, #tpu.memory_space<vmem>> -> memref<1x4096xf32, #tpu.memory_space<vmem>>
      %dma_wait3A_115 = tpu.memref_squeeze %dma_wait3A_114 : memref<1x4096xf32, #tpu.memory_space<vmem>> -> memref<4096xf32, #tpu.memory_space<vmem>>
      %dma_wait3A_116 = arith.constant 12288 : i32
      %dma_wait3A_117 = tpu.memref_slice %arg4[%add3A_11, %dma_wait3A_116] : memref<832x16384xf32, #tpu.memory_space<hbm>> -> memref<1x4096xf32, #tpu.memory_space<hbm>>
      %dma_wait3A_118 = tpu.memref_squeeze %dma_wait3A_117 : memref<1x4096xf32, #tpu.memory_space<hbm>> -> memref<4096xf32, #tpu.memory_space<hbm>>
      %dma_wait3A_119 = arith.constant 12288 : i32
      %dma_wait3A_120 = tpu.memref_slice %arg4[%add3A_11, %dma_wait3A_119] : memref<832x16384xf32, #tpu.memory_space<hbm>> -> memref<1x4096xf32, #tpu.memory_space<hbm>>
      %dma_wait3A_121 = tpu.memref_squeeze %dma_wait3A_120 : memref<1x4096xf32, #tpu.memory_space<hbm>> -> memref<4096xf32, #tpu.memory_space<hbm>>
      %dma_wait3A_122 = arith.constant 0 : i32
      %dma_wait3A_123 = tpu.memref_slice %arg7[%dma_wait3A_112, %dma_wait3A_122] : memref<2x4096xf32, #tpu.memory_space<vmem>> -> memref<1x4096xf32, #tpu.memory_space<vmem>>
      %dma_wait3A_124 = tpu.memref_squeeze %dma_wait3A_123 : memref<1x4096xf32, #tpu.memory_space<vmem>> -> memref<4096xf32, #tpu.memory_space<vmem>>
      tpu.wait_dma2 semaphore(%arg9 : memref<!tpu.dma_semaphore, #tpu.memory_space<semaphore_mem>>) src(%dma_wait3A_124 : memref<4096xf32, #tpu.memory_space<vmem>>) dst(%dma_wait3A_121 : memref<4096xf32, #tpu.memory_space<hbm>>)
      %scan3A_125 = arith.constant 0 : i32
      scf.yield %scan3A_125 : i32
    }
    %scan3A_6 = arith.constant 26 : i32
    return
  }
}

</mosaic_0001>

<sc_bundles>
// kernel: kernel.3.cloned.1.call-start
scs
__scs_entry_jumppad:
0x0: {  	(pc) =	sbr.rel $0x88, $3  }
0x1: {  	(tag) =	ssettag $0x0;
	lr =	simm.s32 $0x1  }
0x2: {  	[smem:$0x3F9F] =	sst lr;
	_ =	strace $0xD0000000  }
0x3: {  	_ = 	snop  }
0x4: {  	_ = 	snop  }
0x5: {  	_ = 	snop  }
0x6: {  	_ = 	snop  }
0x7: {  	_ = 	snop  }
__scs_overlays_trampoline_lowered:
0x8: {  	[smem:$0x3FAE] =	sst s0  }
0x9: {  	[smem:$0x3FAF] =	sst s1  }
0xa: {  	[smem:$0x3FB0] =	sst s2  }
0xb: {  	[smem:$0x3FB1] =	sst s3  }
0xc: {  	[smem:$0x3FB2] =	sst s4  }
0xd: {  	[smem:$0x3FB3] =	sst s5  }
0xe: {  	[smem:$0x3FB4] =	sst s6  }
0xf: {  	[smem:$0x3FB5] =	sst s7  }
0x10: {  	[smem:$0x3FB6] =	sst s8  }
0x11: {  	[smem:$0x3FB7] =	sst s9;
	s0 =	simm.s32 @!p0 $0x0  }
0x12: {  	s1 =	sld [smem:$0x3F9D];
	s0 =	simm.s32 @p0 $0x1  }
0x13: {  	[smem:$0x3FB8] =	sst s0;
	s0 =	simm.s32 @!p1 $0x0  }
0x14: {  	s2 =	sld [smem:$0x3F9C];
	s0 =	simm.s32 @p1 $0x1  }
0x15: {  	[smem:$0x3FB9] =	sst s0;
	s0 =	simm.s32 @!p2 $0x0  }
0x16: {  	s3 =	sld [smem:$0x3FDB];
	s0 =	simm.s32 @p2 $0x1  }
0x17: {  	s4 =	simm.s32 $0x1BF5;
	[smem:$0x3FBB] =	sst s0  }
0x18: {  	s0 =	sld [smem:$0x3F9E];
	_ =	swait.ge [sflag:s4], $0x0  }
0x19: {  	s7 =	sld [smem:$0x3F9F]  }
0x1a: {  	s8 =	sadd.s32 $0xFFFFE003, lr  }
0x1b: {  	s9 =	sadd.s32 $0xFFFFFEF7, lr;
	s5 =	simm.s32 $0xFFFFFFFF;
	p2 =	slt.u32 s8, $0xFFFFF086  }
0x1c: {  	p1 =	slt.u32 s9, $0xF7A;
	s5 =	simm.s32 @!p2 $0x0  }
0x1d: {  	s5 =	simm.s32 @p1 $0x1;
	p0 =	seq.s32 s7, s2  }
0x1e: {  	s7 =	smul.u32 @!p0 $0xF7A, s2;
	p2 =	seq.s32 @!p0 s5, $0x0  }
0x1f: {  	s9 =	smul.u32 $0xF7A, s1;
	s8 =	simm.s32 @!p0 $0x1BF5;
	p2 =	por !p2, p0  }
0x20: {  	[sflag:s8] =	ssyncset.s32 @!p0 $0xFFFFF086;
	s6 =	sadd.s32 @!p0 s3, s7;
	s7 =	simm.s32 @!p0 $0x108  }
0x21: {  	s3 =	sadd.s32 s3, s9;
	s6 =	sadd.s32 @!p0 $0x88, s6;
	s7 =	simm.s32 @p2 $0x1082  }
0x22: {  	[simem:s7], [sflag:s8] =	dma.local @!p0 [hbm:s6], $0xF7A  }
0x23: {  	s9 =	sor.u32 $0xD0000000, s2;
	s6 =	simm.s32 $0x108;
	_ =	swait.ge @!p0 [sflag:s8], $0x0  }
0x24: {  	s3 =	sadd.s32 $0x88, s3;
	s6 =	simm.s32 @!p1 $0x1082;
	[sflag:s4] =	ssyncset.s32 $0xFFFFF086  }
0x25: {  	[simem:s6], [sflag:s4] =	dma.local [hbm:s3], $0xF7A  }
0x26: {  	[smem:$0x3F9F] =	sst s1;
	(tag) =	ssettag s2;
	_ =	strace s9  }
0x27: {  	s1 =	sld [smem:$0x3FAF]  }
0x28: {  	s2 =	sld [smem:$0x3FB0]  }
0x29: {  	s4 =	sld [smem:$0x3FB2]  }
0x2a: {  	p0 =	seq.s32 s5, $0x0;
	s5 =	sld [smem:$0x3FB3]  }
0x2b: {  	s6 =	sld [smem:$0x3FB4]  }
0x2c: {  	s7 =	sld [smem:$0x3FB5]  }
0x2d: {  	s3 =	simm.s32 $0x108;
	s8 =	sld [smem:$0x3FB6]  }
0x2e: {  	s3 =	simm.s32 @!p0 $0x1082;
	s9 =	sld [smem:$0x3FB7]  }
0x2f: {  	lr =	sadd.s32 s0, s3;
	s0 =	sld [smem:$0x3FAE]  }
0x30: {  	s3 =	sld [smem:$0x3FB1]  }
0x31: {  	[smem:$0x3FBA] =	sst s10  }
0x32: {  	s10 =	sld [smem:$0x3FB8];
	_ =	sdelay $0x3  }
0x33: {  	p0 =	seq.s32 s10, $0x1;
	s10 =	sld [smem:$0x3FBA];
	_ =	sdelay $0x3  }
0x34: {  	[smem:$0x3FBA] =	sst s10  }
0x35: {  	s10 =	sld [smem:$0x3FB9];
	_ =	sdelay $0x3  }
0x36: {  	p1 =	seq.s32 s10, $0x1;
	s10 =	sld [smem:$0x3FBA];
	_ =	sdelay $0x3  }
0x37: {  	[smem:$0x3FBA] =	sst s10  }
0x38: {  	s10 =	sld [smem:$0x3FBB]  }
0x39: {  	_ = 	snop;
	(pc) =	sbr.ind lr, $3  }
0x3a: {  	_ = 	snop  }
0x3b: {  	_ = 	snop  }
0x3c: {  	p2 =	seq.s32 s10, $0x1;
	s10 =	sld [smem:$0x3FBA]  }
0x3d: {  	_ =	shalt  }
0x3e: {  	_ =	shalt  }
0x3f: {  	_ =	shalt  }
0x40: {  	_ =	shalt  }
0x41: {  	_ =	shalt  }
0x42: {  	_ =	shalt  }
0x43: {  	_ =	shalt  }
0x44: {  	_ =	shalt  }
0x45: {  	_ =	shalt  }
0x46: {  	_ =	shalt  }
0x47: {  	_ =	shalt  }
0x48: {  	_ =	shalt  }
0x49: {  	_ =	shalt  }
0x4a: {  	_ =	shalt  }
0x4b: {  	_ =	shalt  }
0x4c: {  	_ =	shalt  }
0x4d: {  	_ =	shalt  }
0x4e: {  	_ =	shalt  }
0x4f: {  	_ =	shalt  }
0x50: {  	_ =	shalt  }
0x51: {  	_ =	shalt  }
0x52: {  	_ =	shalt  }
0x53: {  	_ =	shalt  }
0x54: {  	_ =	shalt  }
0x55: {  	_ =	shalt  }
0x56: {  	_ =	shalt  }
0x57: {  	_ =	shalt  }
0x58: {  	_ =	shalt  }
0x59: {  	_ =	shalt  }
0x5a: {  	_ =	shalt  }
0x5b: {  	_ =	shalt  }
0x5c: {  	_ =	shalt  }
0x5d: {  	_ =	shalt  }
0x5e: {  	_ =	shalt  }
0x5f: {  	_ =	shalt  }
0x60: {  	_ =	shalt  }
0x61: {  	_ =	shalt  }
0x62: {  	_ =	shalt  }
0x63: {  	_ =	shalt  }
0x64: {  	_ =	shalt  }
0x65: {  	_ =	shalt  }
0x66: {  	_ =	shalt  }
0x67: {  	_ =	shalt  }
0x68: {  	_ =	shalt  }
0x69: {  	_ =	shalt  }
0x6a: {  	_ =	shalt  }
0x6b: {  	_ =	shalt  }
0x6c: {  	_ =	shalt  }
0x6d: {  	_ =	shalt  }
0x6e: {  	_ =	shalt  }
0x6f: {  	_ =	shalt  }
0x70: {  	_ =	shalt  }
0x71: {  	_ =	shalt  }
0x72: {  	_ =	shalt  }
0x73: {  	_ =	shalt  }
0x74: {  	_ =	shalt  }
0x75: {  	_ =	shalt  }
0x76: {  	_ =	shalt  }
0x77: {  	_ =	shalt  }
0x78: {  	_ =	shalt  }
0x79: {  	_ =	shalt  }
0x7a: {  	_ =	shalt  }
0x7b: {  	_ =	shalt  }
0x7c: {  	_ =	shalt  }
0x7d: {  	_ =	shalt  }
0x7e: {  	_ =	shalt  }
0x7f: {  	_ =	shalt  }
0x80: {  	_ =	shalt  }
0x81: {  	_ =	shalt  }
0x82: {  	_ =	shalt  }
0x83: {  	_ =	shalt  }
0x84: {  	_ =	shalt  }
0x85: {  	_ =	shalt  }
0x86: {  	_ =	shalt  }
0x87: {  	_ =	shalt  }
.Lfunc_end0:
.L_simem_size_0:
called_computation_lowered:
.L_overlay_start_0:
0x88: {  	s2 =	sld [smem:$0x3FD9]  }
0x89: {  	s3 =	sld [smem:$0x3FFE];
	_ =	sdelay $0x1  }
0x8a: {  	s1 =	srdreg.scid  }
0x8b: {  	s0 =	sand.u32 $0x1, s1  }
0x8c: {  	s18 =	sshll.u32 s0, $0xA;
	s2 =	sadd.s32 s3, s2  }
0x8d: {  	s2 =	sadd.s32 s2, s18  }
0x8e: {  	[smem:$0x3FC6] =	sst s2  }
0x8f: {  	_ = 	snop  }
0x90: {  	s2 =	sld [smem:$0x3FC9]  }
0x91: {  	s19 =	sld [smem:$0x3FC8]  }
0x92: {  	s4 =	sld [smem:$0x3FD0];
	(tm) =	ssettm $0x1  }
0x93: {  	s5 =	sld [smem:$0x3FFB];
	_ =	sdelay $0x3  }
0x94: {  	_ =	strace s5  }
0x95: {  	s5 =	sld [smem:$0x3FFC];
	_ =	sdelay $0x3  }
0x96: {  	_ =	strace s5  }
0x97: {  	s5 =	sld [smem:$0x3FFD];
	_ =	sdelay $0x3  }
0x98: {  	_ =	strace s5  }
0x99: {  	_ =	strace $0x8FFFFFFF  }
0x9a: {  	s20 =	sld [smem:$0x3FDB];
	_ =	sdelay $0x1  }
0x9b: {  	s6 =	simm.s32 $_scs_section_size  }
0x9c: {  	s7 =	simm.s32 $_size__tile_overlayer_lowered;
	s8 =	simm.s32 $_tile_overlayer_lowered  }
0x9d: {  	s23 =	simm.s32 $0x1BFF;
	s22 =	sshll.u32 s8, $0x1;
	s5 =	sadd.s32 s6, s20  }
0x9e: {  	s9 =	simm.s32 $0x0;
	s21 =	sshll.u32 s7, $0x1;
	s7 =	sadd.s32 s22, s5  }
0x9f: {  	[timem:s9], [sflag:s23] =	dma.local [hbm:s7], s21  }
0xa0: {  	_ =	swait.ge [sflag:s23], s21  }
0xa1: {  	s6 =	ssub.s32 $0x0, s21;
	[sflag:s23] =	ssyncset.done $0x0  }
0xa2: {  	[sflag:s23] =	ssyncadd.s32 s6;
	_ =	sdelay $0x1  }
0xa3: {  	s24 =	simm.s32 $0x1B8B  }
0xa4: {  	_ =	swait.ge [sflag:s24], $0x1  }
0xa5: {  	[sflag:s24] =	ssyncset.done $0x0  }
0xa6: {  	s25 =	simm.s32 $0x1B8E;
	[sflag:s24] =	ssyncadd.s32 $0xFFFFFFFF  }
0xa7: {  	s26 =	simm.s32 $execute0_lowered;
	[smem:$0x3FD2] =	sst s25  }
0xa8: {  	s6 =	sshll.u32 s26, $0x1;
	_ =	strace $0x80000046;
	[dreg:$0x1] =	wrdreg $0xFFFFFFFF  }
0xa9: {  	s28 =	simm.s32 $_size_execute0_lowered;
	s5 =	sadd.s32 s5, s6;
	[dreg:$0x0] =	wrdreg $0x0  }
0xaa: {  	s6 =	sshll.u32 s28, $0x1;
	[dreg:$0x2] =	wrdreg s5  }
0xab: {  	[dreg:$0x3] =	wrdreg s6  }
0xac: {  	[dreg:$0x4] =	wrdreg $0xC0  }
0xad: {  	_ =	task [dreg:s9], $0x5FFFF  }
0xae: {  	[dreg:$0x1] =	wrdreg $0xFFFFFFFF  }
0xaf: {  	[dreg:$0x0] =	wrdreg $0x60  }
0xb0: {  	[dreg:$0x2] =	wrdreg s19  }
0xb1: {  	[dreg:$0x3] =	wrdreg s2  }
0xb2: {  	[dreg:$0x4] =	wrdreg s4  }
0xb3: {  	[dreg:$0x5] =	wrdreg $0x9  }
0xb4: {  	_ =	task.clear_ibuf [dreg:s9], $0x6FFFF;
	_ =	strace $0x90000046  }
0xb5: {  	s29 =	simm.s32 $0x9;
	_ =	strace $0x80000048  }
0xb6: {  	_ =	swait.ge [sflag:s29], $0x1  }
0xb7: {  	[sflag:s29] =	ssyncadd.s32 $0xFFFFFFFF  }
0xb8: {  	_ =	strace $0x90000048  }
0xb9: {  	_ =	sfence  }
0xba: {  	s30 =	sld [smem:$0x0];
	_ =	sdelay $0x2  }
0xbb: {  	s31 =	sshll.u32 s1, $0xD;
	s1 =	sshrl.u32 s1, $0x2  }
0xbc: {  	s3 =	sand.u32 $0x4000, s31;
	s1 =	sadd.s32 s1, s30  }
0xbd: {  	s0 =	sor.u32 s3, s0;
	s1 =	sshll.u32 s1, $0x11  }
0xbe: {  	s0 =	sor.u32 s1, s0  }
0xbf: {  	s0 =	sadd.s32 $0x8F2B, s0  }
0xc0: {  	[sflag:s0] =	ssyncadd.remote.s32 $0x1  }
0xc1: {  	_ =	sfence.sel $0xFFFF  }
0xc2: {  	[dreg:$0x0] =	wrdreg $0xFFFFFFFF;
	(pc) =	sbr.abs _section_cstart, $3  }
0xc3: {  	[dreg:$0x1] =	wrdreg $0xFFFFFFFF  }
0xc4: {  	_ =	task.clear_ibuf [dreg:s9], $0x2FFFF;
	_ =	strace $0x9FFFFFFF  }
0xc5: {  	(tm) =	ssettm $0x7FFFFFFF  }
tec
execute0_lowered:
.L_overlay_start_1:
0x0: {  	(tag) =	ssettag $0x1  }
0x1: {  	s1 =	rddreg [dreg:$0x0]  }
0x2: {  	s2 =	rddreg [dreg:$0x1]  }
0x3: {  	s3 =	rddreg [dreg:$0x2]  }
0x4: {  	s0 =	rddreg [dreg:$0x3];
	s5 =	simm.s32 $0x0;
	s6 =	srdreg.scid  }
0x5: {  	s4 =	stileid.u32;
	s13 =	simm.s32 $0x80;
	s14 =	simm.s32 $0x400  }
0x6: {  	s15 =	simm.s32 $0x18700;
	s16 =	simm.s32 $0x3;
	s17 =	simm.s32 $0x1  }
0x7: {  	s18 =	simm.s32 $0x2;
	s19 =	simm.s32 $0x0;
	[smem:$0x7FF] =	sst s5  }
0x8: {  	s6 =	sand.u32 $0x1, s6;
	s8 =	sshrl.u32 s4, $0x2;
	s9 =	sshll.u32 s4, $0x8  }
0x9: {  	s31 =	sshll.u32 s4, $0xF;
	s11 =	sadd.s32 $0x3000, s3;
	s7 =	ssub.s32 $0x2, s6  }
0xa: {  	s8 =	smul.u32 $0xC3800, s8;
	s6 =	sshll.u32 s6, $0x7;
	s9 =	sand.u32 $0x300, s9  }
0xb: {  	_ =	strace $0x80000047;
	s10 =	sshrl.u32 s7, $0x1;
	s6 =	sor.u32 s6, s9  }
0xc: {  	s9 =	sadd.s32 $0x1000, s3;
	s12 =	ssub.s32 s7, s10;
	s7 =	sor.u32 s6, s8  }
0xd: {  	s8 =	sand.u32 $0x60000, s31;
	s10 =	sadd.s32 $0x2000, s3;
	s12 =	smax.u32 s12, $0x1  }
.LBB2_1:
0xe: {  	s20 =	simm.s32 $0x0  }
.LBB2_2:
0xf: {  	s21 =	sshll.u32 s20, $0x4  }
0x10: {  	s22 =	sshll.u32 s20, $0xB;
	s21 =	sand.u32 $0x70, s21  }
0x11: {  	s22 =	sand.u32 $0xC000, s22;
	s21 =	sadd.s32 s2, s21  }
0x12: {  	s29 =	smul.u32 $0x30E000, s20;
	s21 =	sadd.s32 s22, s21  }
0x13: {  	[tilespmem:s15], [sflag:$0x3] =	stream.strided.gather [hbm4b:s21+s13], $0x4000, s14, s13, $0x38;
	[tilespmem:$0x1E700] =	vst v63  }
0x14: {  	s30 =	sadd.s32 s7, s29;
	_ =	swait.ge [sflag:s16], $0x4000  }
0x15: {  	s21 =	sshrl.u32 s30, $0x3;
	[sflag:s16] =	ssyncset.done $0x0  }
0x16: {  	s21 =	sadd.s32 s1, s21;
	[sflag:s16] =	ssyncadd.s32 $0xFFFFC000  }
0x17: {  	[tilespmem:s5], [sflag:$0x3] =	stream.strided.gather [hbm4b:s21+s13], $0x18700, s14, s13, $0x38;
	[tilespmem:$0x1E700] =	vst v63  }
0x18: {  	_ =	swait.ge [sflag:s16], $0x18700  }
0x19: {  	[sflag:s16] =	ssyncset.done $0x0  }
0x1a: {  	s31 =	simm.s32 $0x18780;
	[sflag:s16] =	ssyncadd.s32 $0xFFFE7900  }
0x1b: {  	v0 =	vld [tilespmem:s31+$0x70]  }
0x1c: {  	v1 =	vld [tilespmem:s31+$0xFFFFFF90]  }
0x1d: {  	v2 =	vld [tilespmem:s31+$0xFFFFFFA0]  }
0x1e: {  	v3 =	vld [tilespmem:s31+$0xFFFFFFB0]  }
0x1f: {  	v4 =	vld [tilespmem:s31+$0xFFFFFFC0]  }
0x20: {  	v5 =	vld [tilespmem:s31+$0xFFFFFFD0]  }
0x21: {  	v6 =	vld [tilespmem:s31+$0xFFFFFFE0]  }
0x22: {  	v7 =	vld [tilespmem:s31+$0xFFFFFFF0]  }
0x23: {  	v8 =	vld [tilespmem:s31+$0x0]  }
0x24: {  	v9 =	vld [tilespmem:s31+$0x10]  }
0x25: {  	v10 =	vld [tilespmem:s31+$0x20]  }
0x26: {  	v11 =	vld [tilespmem:s31+$0x30]  }
0x27: {  	v12 =	vld [tilespmem:s31+$0x40]  }
0x28: {  	v13 =	vld [tilespmem:s31+$0x50]  }
0x29: {  	v14 =	vld [tilespmem:s31+$0x60]  }
0x2a: {  	v15 =	vld [tilespmem:s31+$0xFFFFFF80]  }
0x2b: {  	v0 =	vld.idx.msk [tilespmem:v0+s5+$0x0], $0xffff  }
0x2c: {  	v1 =	vld.idx.msk [tilespmem:v1+s5+$0x0], $0xffff  }
0x2d: {  	v2 =	vld.idx.msk [tilespmem:v2+s5+$0x0], $0xffff  }
0x2e: {  	v3 =	vld.idx.msk [tilespmem:v3+s5+$0x0], $0xffff  }
0x2f: {  	v4 =	vld.idx.msk [tilespmem:v4+s5+$0x0], $0xffff  }
0x30: {  	s22 =	simm.s32 $0x1C800;
	v5 =	vld.idx.msk [tilespmem:v5+s5+$0x0], $0xffff  }
0x31: {  	v6 =	vld.idx.msk [tilespmem:v6+s5+$0x0], $0xffff;
	[tilespmem:s22+$0x70] =	vst v0  }
0x32: {  	v7 =	vld.idx.msk [tilespmem:v7+s5+$0x0], $0xffff;
	[tilespmem:s22+$0xFFFFFF10] =	vst v1  }
0x33: {  	v15 =	vld.idx.msk [tilespmem:v15+s5+$0x0], $0xffff;
	[tilespmem:s22+$0xFFFFFF20] =	vst v2  }
0x34: {  	v8 =	vld.idx.msk [tilespmem:v8+s5+$0x0], $0xffff;
	[tilespmem:s22+$0xFFFFFF30] =	vst v3  }
0x35: {  	[tilespmem:s22+$0xFFFFFF40] =	vst v4;
	v0 =	vld.idx.msk [tilespmem:v9+s5+$0x0], $0xffff  }
0x36: {  	[tilespmem:s22+$0xFFFFFF50] =	vst v5;
	v1 =	vld.idx.msk [tilespmem:v10+s5+$0x0], $0xffff  }
0x37: {  	[tilespmem:s22+$0xFFFFFF60] =	vst v6;
	v2 =	vld.idx.msk [tilespmem:v11+s5+$0x0], $0xffff  }
0x38: {  	[tilespmem:s22+$0xFFFFFF70] =	vst v7;
	v3 =	vld.idx.msk [tilespmem:v12+s5+$0x0], $0xffff  }
0x39: {  	[tilespmem:s22+$0xFFFFFF00] =	vst v15;
	v4 =	vld.idx.msk [tilespmem:v13+s5+$0x0], $0xffff  }
0x3a: {  	s23 =	simm.s32 $0x18880;
	s21 =	simm.s32 $0x0;
	[tilespmem:s22+$0x0] =	vst v8;
	v5 =	vld.idx.msk [tilespmem:v14+s5+$0x0], $0xffff  }
.LBB2_3:
0x3b: {  	v6 =	vld [tilespmem:s23+$0x70];
	s21 =	sadd.s32 $0x10, s21;
	[tilespmem:s22+$0x10] =	vst v0  }
0x3c: {  	v0 =	vld [tilespmem:s23+$0xFFFFFF90];
	p0 =	slt.u32 s21, $0xF0;
	[tilespmem:s22+$0x20] =	vst v1  }
0x3d: {  	v1 =	vld [tilespmem:s23+$0xFFFFFFA0];
	[tilespmem:s22+$0x30] =	vst v2  }
0x3e: {  	v2 =	vld [tilespmem:s23+$0xFFFFFFB0];
	[tilespmem:s22+$0x40] =	vst v3  }
0x3f: {  	v3 =	vld [tilespmem:s23+$0xFFFFFFC0];
	[tilespmem:s22+$0x50] =	vst v4  }
0x40: {  	v4 =	vld [tilespmem:s23+$0xFFFFFFD0];
	[tilespmem:s22+$0x60] =	vst v5  }
0x41: {  	v5 =	vld [tilespmem:s23+$0xFFFFFFE0]  }
0x42: {  	v7 =	vld [tilespmem:s23+$0xFFFFFFF0]  }
0x43: {  	v6 =	vld.idx.msk [tilespmem:v6+s5+$0x0], $0xffff  }
0x44: {  	v8 =	vld [tilespmem:s23+$0x0]  }
0x45: {  	v9 =	vld [tilespmem:s23+$0x10]  }
0x46: {  	v10 =	vld [tilespmem:s23+$0x20]  }
0x47: {  	v11 =	vld [tilespmem:s23+$0x30]  }
0x48: {  	s22 =	sadd.s32 $0x200, s22;
	v12 =	vld [tilespmem:s23+$0x40]  }
0x49: {  	v13 =	vld [tilespmem:s23+$0x50];
	[tilespmem:s22+$0x70] =	vst v6  }
0x4a: {  	v6 =	vld [tilespmem:s23+$0x60]  }
0x4b: {  	v14 =	vld [tilespmem:s23+$0xFFFFFF80]  }
0x4c: {  	v0 =	vld.idx.msk [tilespmem:v0+s5+$0x0], $0xffff  }
0x4d: {  	v1 =	vld.idx.msk [tilespmem:v1+s5+$0x0], $0xffff  }
0x4e: {  	v2 =	vld.idx.msk [tilespmem:v2+s5+$0x0], $0xffff  }
0x4f: {  	v3 =	vld.idx.msk [tilespmem:v3+s5+$0x0], $0xffff  }
0x50: {  	v4 =	vld.idx.msk [tilespmem:v4+s5+$0x0], $0xffff  }
0x51: {  	v5 =	vld.idx.msk [tilespmem:v5+s5+$0x0], $0xffff  }
0x52: {  	[tilespmem:s22+$0xFFFFFF10] =	vst v0;
	v7 =	vld.idx.msk [tilespmem:v7+s5+$0x0], $0xffff  }
0x53: {  	v14 =	vld.idx.msk [tilespmem:v14+s5+$0x0], $0xffff;
	[tilespmem:s22+$0xFFFFFF20] =	vst v1  }
0x54: {  	[tilespmem:s22+$0xFFFFFF30] =	vst v2;
	v8 =	vld.idx.msk [tilespmem:v8+s5+$0x0], $0xffff  }
0x55: {  	[tilespmem:s22+$0xFFFFFF40] =	vst v3;
	v0 =	vld.idx.msk [tilespmem:v9+s5+$0x0], $0xffff  }
.Ltmp0:
0x56: {  	[tilespmem:s22+$0xFFFFFF50] =	vst v4;
	v1 =	vld.idx.msk [tilespmem:v10+s5+$0x0], $0xffff;
	(pc) =	sbr.rel @p0 .LBB2_3-.Ltmp0, $4  }
0x57: {  	[tilespmem:s22+$0xFFFFFF60] =	vst v5;
	v2 =	vld.idx.msk [tilespmem:v11+s5+$0x0], $0xffff  }
0x58: {  	[tilespmem:s22+$0xFFFFFF70] =	vst v7;
	v3 =	vld.idx.msk [tilespmem:v12+s5+$0x0], $0xffff  }
0x59: {  	[tilespmem:s22+$0xFFFFFF00] =	vst v14;
	v4 =	vld.idx.msk [tilespmem:v13+s5+$0x0], $0xffff  }
0x5a: {  	s23 =	sadd.s32 $0x100, s23;
	[tilespmem:s22+$0x0] =	vst v8;
	v5 =	vld.idx.msk [tilespmem:v6+s5+$0x0], $0xffff  }
0x5b: {  	[tilespmem:s22+$0x10] =	vst v0  }
0x5c: {  	[tilespmem:s22+$0x20] =	vst v1;
	s21 =	sshll.u32 s20, $0x13  }
0x5d: {  	[tilespmem:s22+$0x30] =	vst v2;
	s21 =	sor.u32 s21, s8  }
0x5e: {  	[tilespmem:s22+$0x40] =	vst v3;
	s21 =	sor.u32 s6, s21  }
0x5f: {  	[tilespmem:s22+$0x50] =	vst v4;
	s21 =	sshrl.u32 s21, $0x3  }
0x60: {  	s23 =	simm.s32 $0x0;
	s24 =	simm.s32 $0x1C700;
	[tilespmem:s22+$0x60] =	vst v5;
	s22 =	sadd.s32 s3, s21  }
.LBB2_5:
0x61: {  	p0 =	sne.s32 s23, $0xF80  }
.Ltmp1:
0x62: {  	_ = 	snop;
	(pc) =	sbr.rel @p0 .LBB2_5-.Ltmp1, $4  }
0x63: {  	_ = 	snop  }
0x64: {  	s25 =	sadd.s32 s23, s22  }
0x65: {  	[hbm4b:s25+s5] =	stream.linear.scatter [tilespmem:s24], [sflag:$0x1], $0x80, $0x38;
	[tilespmem:$0x1E700] =	vst v63  }
0x66: {  	s23 =	sadd.s32 $0x80, s23;
	s24 =	sadd.s32 $0x100, s24  }
0x67: {  	s22 =	simm.s32 $0x197F0  }
0x68: {  	v0 =	vld [tilespmem:s22+$0x0]  }
0x69: {  	v1 =	vld [tilespmem:s22+$0xFFFFFF20]  }
0x6a: {  	v2 =	vld [tilespmem:s22+$0xFFFFFF30]  }
0x6b: {  	v3 =	vld [tilespmem:s22+$0xFFFFFF40]  }
0x6c: {  	v4 =	vld [tilespmem:s22+$0xFFFFFF50]  }
0x6d: {  	v5 =	vld [tilespmem:s22+$0xFFFFFF60]  }
0x6e: {  	v6 =	vld [tilespmem:s22+$0xFFFFFF70]  }
0x6f: {  	v7 =	vld [tilespmem:s22+$0xFFFFFF80]  }
0x70: {  	v8 =	vld [tilespmem:s22+$0xFFFFFF90]  }
0x71: {  	v9 =	vld [tilespmem:s22+$0xFFFFFFA0]  }
0x72: {  	v10 =	vld [tilespmem:s22+$0xFFFFFFB0]  }
0x73: {  	v11 =	vld [tilespmem:s22+$0xFFFFFFC0]  }
0x74: {  	v12 =	vld [tilespmem:s22+$0xFFFFFFD0]  }
0x75: {  	v13 =	vld [tilespmem:s22+$0xFFFFFFE0]  }
0x76: {  	v14 =	vld [tilespmem:s22+$0xFFFFFFF0]  }
0x77: {  	v15 =	vld [tilespmem:s22+$0xFFFFFF10]  }
0x78: {  	v0 =	vld.idx.msk [tilespmem:v0+s5+$0x0], $0xffff  }
0x79: {  	v1 =	vld.idx.msk [tilespmem:v1+s5+$0x0], $0xffff  }
0x7a: {  	v2 =	vld.idx.msk [tilespmem:v2+s5+$0x0], $0xffff  }
0x7b: {  	v3 =	vld.idx.msk [tilespmem:v3+s5+$0x0], $0xffff  }
0x7c: {  	v4 =	vld.idx.msk [tilespmem:v4+s5+$0x0], $0xffff  }
0x7d: {  	s22 =	simm.s32 $0x1C880;
	v5 =	vld.idx.msk [tilespmem:v5+s5+$0x0], $0xffff  }
0x7e: {  	v6 =	vld.idx.msk [tilespmem:v6+s5+$0x0], $0xffff;
	[tilespmem:s22+$0x70] =	vst v0  }
0x7f: {  	v7 =	vld.idx.msk [tilespmem:v7+s5+$0x0], $0xffff;
	[tilespmem:s22+$0xFFFFFF10] =	vst v1  }
0x80: {  	v15 =	vld.idx.msk [tilespmem:v15+s5+$0x0], $0xffff;
	[tilespmem:s22+$0xFFFFFF20] =	vst v2  }
0x81: {  	v8 =	vld.idx.msk [tilespmem:v8+s5+$0x0], $0xffff;
	[tilespmem:s22+$0xFFFFFF30] =	vst v3  }
0x82: {  	[tilespmem:s22+$0xFFFFFF40] =	vst v4;
	v0 =	vld.idx.msk [tilespmem:v9+s5+$0x0], $0xffff  }
0x83: {  	[tilespmem:s22+$0xFFFFFF50] =	vst v5;
	v1 =	vld.idx.msk [tilespmem:v10+s5+$0x0], $0xffff  }
0x84: {  	[tilespmem:s22+$0xFFFFFF60] =	vst v6;
	v2 =	vld.idx.msk [tilespmem:v11+s5+$0x0], $0xffff  }
0x85: {  	[tilespmem:s22+$0xFFFFFF70] =	vst v7;
	v3 =	vld.idx.msk [tilespmem:v12+s5+$0x0], $0xffff  }
0x86: {  	[tilespmem:s22+$0xFFFFFF00] =	vst v15;
	v4 =	vld.idx.msk [tilespmem:v13+s5+$0x0], $0xffff  }
0x87: {  	s23 =	simm.s32 $0x0;
	s24 =	simm.s32 $0x198F0;
	[tilespmem:s22+$0x0] =	vst v8;
	v5 =	vld.idx.msk [tilespmem:v14+s5+$0x0], $0xffff  }
.LBB2_7:
0x88: {  	v6 =	vld [tilespmem:s24+$0x0];
	s23 =	sadd.s32 $0x10, s23;
	[tilespmem:s22+$0x10] =	vst v0  }
0x89: {  	v0 =	vld [tilespmem:s24+$0xFFFFFF20];
	p0 =	slt.u32 s23, $0xF0;
	[tilespmem:s22+$0x20] =	vst v1  }
0x8a: {  	v1 =	vld [tilespmem:s24+$0xFFFFFF30];
	[tilespmem:s22+$0x30] =	vst v2  }
0x8b: {  	v2 =	vld [tilespmem:s24+$0xFFFFFF40];
	[tilespmem:s22+$0x40] =	vst v3  }
0x8c: {  	v3 =	vld [tilespmem:s24+$0xFFFFFF50];
	[tilespmem:s22+$0x50] =	vst v4  }
0x8d: {  	v4 =	vld [tilespmem:s24+$0xFFFFFF60];
	[tilespmem:s22+$0x60] =	vst v5  }
0x8e: {  	v5 =	vld [tilespmem:s24+$0xFFFFFF70]  }
0x8f: {  	v7 =	vld [tilespmem:s24+$0xFFFFFF80]  }
0x90: {  	v6 =	vld.idx.msk [tilespmem:v6+s5+$0x0], $0xffff  }
0x91: {  	v8 =	vld [tilespmem:s24+$0xFFFFFF90]  }
0x92: {  	v9 =	vld [tilespmem:s24+$0xFFFFFFA0]  }
0x93: {  	v10 =	vld [tilespmem:s24+$0xFFFFFFB0]  }
0x94: {  	v11 =	vld [tilespmem:s24+$0xFFFFFFC0]  }
0x95: {  	s22 =	sadd.s32 $0x200, s22;
	v12 =	vld [tilespmem:s24+$0xFFFFFFD0]  }
0x96: {  	v13 =	vld [tilespmem:s24+$0xFFFFFFE0];
	[tilespmem:s22+$0x70] =	vst v6  }
0x97: {  	v6 =	vld [tilespmem:s24+$0xFFFFFFF0]  }
0x98: {  	v14 =	vld [tilespmem:s24+$0xFFFFFF10]  }
0x99: {  	v0 =	vld.idx.msk [tilespmem:v0+s5+$0x0], $0xffff  }
0x9a: {  	v1 =	vld.idx.msk [tilespmem:v1+s5+$0x0], $0xffff  }
0x9b: {  	v2 =	vld.idx.msk [tilespmem:v2+s5+$0x0], $0xffff  }
0x9c: {  	v3 =	vld.idx.msk [tilespmem:v3+s5+$0x0], $0xffff  }
0x9d: {  	v4 =	vld.idx.msk [tilespmem:v4+s5+$0x0], $0xffff  }
0x9e: {  	v5 =	vld.idx.msk [tilespmem:v5+s5+$0x0], $0xffff  }
0x9f: {  	[tilespmem:s22+$0xFFFFFF10] =	vst v0;
	v7 =	vld.idx.msk [tilespmem:v7+s5+$0x0], $0xffff  }
0xa0: {  	v14 =	vld.idx.msk [tilespmem:v14+s5+$0x0], $0xffff;
	[tilespmem:s22+$0xFFFFFF20] =	vst v1  }
0xa1: {  	[tilespmem:s22+$0xFFFFFF30] =	vst v2;
	v8 =	vld.idx.msk [tilespmem:v8+s5+$0x0], $0xffff  }
0xa2: {  	[tilespmem:s22+$0xFFFFFF40] =	vst v3;
	v0 =	vld.idx.msk [tilespmem:v9+s5+$0x0], $0xffff  }
.Ltmp2:
0xa3: {  	[tilespmem:s22+$0xFFFFFF50] =	vst v4;
	v1 =	vld.idx.msk [tilespmem:v10+s5+$0x0], $0xffff;
	(pc) =	sbr.rel @p0 .LBB2_7-.Ltmp2, $4  }
0xa4: {  	[tilespmem:s22+$0xFFFFFF60] =	vst v5;
	v2 =	vld.idx.msk [tilespmem:v11+s5+$0x0], $0xffff  }
0xa5: {  	[tilespmem:s22+$0xFFFFFF70] =	vst v7;
	v3 =	vld.idx.msk [tilespmem:v12+s5+$0x0], $0xffff  }
0xa6: {  	[tilespmem:s22+$0xFFFFFF00] =	vst v14;
	v4 =	vld.idx.msk [tilespmem:v13+s5+$0x0], $0xffff  }
0xa7: {  	s24 =	sadd.s32 $0x100, s24;
	[tilespmem:s22+$0x0] =	vst v8;
	v5 =	vld.idx.msk [tilespmem:v6+s5+$0x0], $0xffff  }
0xa8: {  	[tilespmem:s22+$0x10] =	vst v0  }
0xa9: {  	[tilespmem:s22+$0x20] =	vst v1  }
0xaa: {  	[tilespmem:s22+$0x30] =	vst v2  }
0xab: {  	[tilespmem:s22+$0x40] =	vst v3  }
0xac: {  	s23 =	sadd.s32 s21, s9;
	s24 =	simm.s32 $0x1C780;
	[tilespmem:s22+$0x50] =	vst v4  }
0xad: {  	s25 =	simm.s32 $0x1C880;
	s26 =	sadd.s32 $0x0, s23;
	[tilespmem:s22+$0x60] =	vst v5;
	s22 =	simm.s32 $0x80  }
.LBB2_9:
0xae: {  	[hbm4b:s26+s5] =	stream.linear.scatter [tilespmem:s24], [sflag:$0x2], $0x80, $0x38;
	[tilespmem:$0x1E700] =	vst v63  }
0xaf: {  	s26 =	smov.u32 s22;
	s24 =	smov.u32 s25;
	p0 =	sne.s32 s22, $0xF80  }
.Ltmp3:
0xb0: {  	s22 =	sadd.s32 $0x80, s22;
	(pc) =	sbr.rel @p0 .LBB2_9-.Ltmp3, $2  }
0xb1: {  	_ =	sdelay $0x2  }
0xb2: {  	s25 =	sadd.s32 $0x100, s25;
	s26 =	sadd.s32 s26, s23  }
0xb3: {  	[hbm4b:s26+s5] =	stream.linear.scatter [tilespmem:s24], [sflag:$0x2], $0x80, $0x38;
	[tilespmem:$0x1E700] =	vst v63  }
0xb4: {  	_ =	swait.ge [sflag:s17], $0x1000  }
0xb5: {  	[sflag:s17] =	ssyncset.done $0x0  }
0xb6: {  	s22 =	simm.s32 $0x1A7F0;
	[sflag:s17] =	ssyncadd.s32 $0xFFFFF000  }
0xb7: {  	v0 =	vld [tilespmem:s22+$0x0]  }
0xb8: {  	v1 =	vld [tilespmem:s22+$0xFFFFFF20]  }
0xb9: {  	v2 =	vld [tilespmem:s22+$0xFFFFFF30]  }
0xba: {  	v3 =	vld [tilespmem:s22+$0xFFFFFF40]  }
0xbb: {  	v4 =	vld [tilespmem:s22+$0xFFFFFF50]  }
0xbc: {  	v5 =	vld [tilespmem:s22+$0xFFFFFF60]  }
0xbd: {  	v6 =	vld [tilespmem:s22+$0xFFFFFF70]  }
0xbe: {  	v7 =	vld [tilespmem:s22+$0xFFFFFF80]  }
0xbf: {  	v8 =	vld [tilespmem:s22+$0xFFFFFF90]  }
0xc0: {  	v9 =	vld [tilespmem:s22+$0xFFFFFFA0]  }
0xc1: {  	v10 =	vld [tilespmem:s22+$0xFFFFFFB0]  }
0xc2: {  	v11 =	vld [tilespmem:s22+$0xFFFFFFC0]  }
0xc3: {  	v12 =	vld [tilespmem:s22+$0xFFFFFFD0]  }
0xc4: {  	v13 =	vld [tilespmem:s22+$0xFFFFFFE0]  }
0xc5: {  	v14 =	vld [tilespmem:s22+$0xFFFFFFF0]  }
0xc6: {  	v15 =	vld [tilespmem:s22+$0xFFFFFF10]  }
0xc7: {  	v0 =	vld.idx.msk [tilespmem:v0+s5+$0x0], $0xffff  }
0xc8: {  	v1 =	vld.idx.msk [tilespmem:v1+s5+$0x0], $0xffff  }
0xc9: {  	v2 =	vld.idx.msk [tilespmem:v2+s5+$0x0], $0xffff  }
0xca: {  	v3 =	vld.idx.msk [tilespmem:v3+s5+$0x0], $0xffff  }
0xcb: {  	v4 =	vld.idx.msk [tilespmem:v4+s5+$0x0], $0xffff  }
0xcc: {  	s22 =	simm.s32 $0x1C800;
	v5 =	vld.idx.msk [tilespmem:v5+s5+$0x0], $0xffff  }
0xcd: {  	v6 =	vld.idx.msk [tilespmem:v6+s5+$0x0], $0xffff;
	[tilespmem:s22+$0x70] =	vst v0  }
0xce: {  	v7 =	vld.idx.msk [tilespmem:v7+s5+$0x0], $0xffff;
	[tilespmem:s22+$0xFFFFFF10] =	vst v1  }
0xcf: {  	v15 =	vld.idx.msk [tilespmem:v15+s5+$0x0], $0xffff;
	[tilespmem:s22+$0xFFFFFF20] =	vst v2  }
0xd0: {  	v8 =	vld.idx.msk [tilespmem:v8+s5+$0x0], $0xffff;
	[tilespmem:s22+$0xFFFFFF30] =	vst v3  }
0xd1: {  	[tilespmem:s22+$0xFFFFFF40] =	vst v4;
	v0 =	vld.idx.msk [tilespmem:v9+s5+$0x0], $0xffff  }
0xd2: {  	[tilespmem:s22+$0xFFFFFF50] =	vst v5;
	v1 =	vld.idx.msk [tilespmem:v10+s5+$0x0], $0xffff  }
0xd3: {  	[tilespmem:s22+$0xFFFFFF60] =	vst v6;
	v2 =	vld.idx.msk [tilespmem:v11+s5+$0x0], $0xffff  }
0xd4: {  	[tilespmem:s22+$0xFFFFFF70] =	vst v7;
	v3 =	vld.idx.msk [tilespmem:v12+s5+$0x0], $0xffff  }
0xd5: {  	[tilespmem:s22+$0xFFFFFF00] =	vst v15;
	v4 =	vld.idx.msk [tilespmem:v13+s5+$0x0], $0xffff  }
0xd6: {  	s23 =	simm.s32 $0x0;
	s24 =	simm.s32 $0x1A8F0;
	[tilespmem:s22+$0x0] =	vst v8;
	v5 =	vld.idx.msk [tilespmem:v14+s5+$0x0], $0xffff  }
.LBB2_11:
0xd7: {  	v6 =	vld [tilespmem:s24+$0x0];
	s23 =	sadd.s32 $0x10, s23;
	[tilespmem:s22+$0x10] =	vst v0  }
0xd8: {  	v0 =	vld [tilespmem:s24+$0xFFFFFF20];
	p0 =	slt.u32 s23, $0xF0;
	[tilespmem:s22+$0x20] =	vst v1  }
0xd9: {  	v1 =	vld [tilespmem:s24+$0xFFFFFF30];
	[tilespmem:s22+$0x30] =	vst v2  }
0xda: {  	v2 =	vld [tilespmem:s24+$0xFFFFFF40];
	[tilespmem:s22+$0x40] =	vst v3  }
0xdb: {  	v3 =	vld [tilespmem:s24+$0xFFFFFF50];
	[tilespmem:s22+$0x50] =	vst v4  }
0xdc: {  	v4 =	vld [tilespmem:s24+$0xFFFFFF60];
	[tilespmem:s22+$0x60] =	vst v5  }
0xdd: {  	v5 =	vld [tilespmem:s24+$0xFFFFFF70]  }
0xde: {  	v7 =	vld [tilespmem:s24+$0xFFFFFF80]  }
0xdf: {  	v6 =	vld.idx.msk [tilespmem:v6+s5+$0x0], $0xffff  }
0xe0: {  	v8 =	vld [tilespmem:s24+$0xFFFFFF90]  }
0xe1: {  	v9 =	vld [tilespmem:s24+$0xFFFFFFA0]  }
0xe2: {  	v10 =	vld [tilespmem:s24+$0xFFFFFFB0]  }
0xe3: {  	v11 =	vld [tilespmem:s24+$0xFFFFFFC0]  }
0xe4: {  	s22 =	sadd.s32 $0x200, s22;
	v12 =	vld [tilespmem:s24+$0xFFFFFFD0]  }
0xe5: {  	v13 =	vld [tilespmem:s24+$0xFFFFFFE0];
	[tilespmem:s22+$0x70] =	vst v6  }
0xe6: {  	v6 =	vld [tilespmem:s24+$0xFFFFFFF0]  }
0xe7: {  	v14 =	vld [tilespmem:s24+$0xFFFFFF10]  }
0xe8: {  	v0 =	vld.idx.msk [tilespmem:v0+s5+$0x0], $0xffff  }
0xe9: {  	v1 =	vld.idx.msk [tilespmem:v1+s5+$0x0], $0xffff  }
0xea: {  	v2 =	vld.idx.msk [tilespmem:v2+s5+$0x0], $0xffff  }
0xeb: {  	v3 =	vld.idx.msk [tilespmem:v3+s5+$0x0], $0xffff  }
0xec: {  	v4 =	vld.idx.msk [tilespmem:v4+s5+$0x0], $0xffff  }
0xed: {  	v5 =	vld.idx.msk [tilespmem:v5+s5+$0x0], $0xffff  }
0xee: {  	[tilespmem:s22+$0xFFFFFF10] =	vst v0;
	v7 =	vld.idx.msk [tilespmem:v7+s5+$0x0], $0xffff  }
0xef: {  	v14 =	vld.idx.msk [tilespmem:v14+s5+$0x0], $0xffff;
	[tilespmem:s22+$0xFFFFFF20] =	vst v1  }
0xf0: {  	[tilespmem:s22+$0xFFFFFF30] =	vst v2;
	v8 =	vld.idx.msk [tilespmem:v8+s5+$0x0], $0xffff  }
0xf1: {  	[tilespmem:s22+$0xFFFFFF40] =	vst v3;
	v0 =	vld.idx.msk [tilespmem:v9+s5+$0x0], $0xffff  }
.Ltmp4:
0xf2: {  	[tilespmem:s22+$0xFFFFFF50] =	vst v4;
	v1 =	vld.idx.msk [tilespmem:v10+s5+$0x0], $0xffff;
	(pc) =	sbr.rel @p0 .LBB2_11-.Ltmp4, $4  }
0xf3: {  	[tilespmem:s22+$0xFFFFFF60] =	vst v5;
	v2 =	vld.idx.msk [tilespmem:v11+s5+$0x0], $0xffff  }
0xf4: {  	[tilespmem:s22+$0xFFFFFF70] =	vst v7;
	v3 =	vld.idx.msk [tilespmem:v12+s5+$0x0], $0xffff  }
0xf5: {  	[tilespmem:s22+$0xFFFFFF00] =	vst v14;
	v4 =	vld.idx.msk [tilespmem:v13+s5+$0x0], $0xffff  }
0xf6: {  	s24 =	sadd.s32 $0x100, s24;
	[tilespmem:s22+$0x0] =	vst v8;
	v5 =	vld.idx.msk [tilespmem:v6+s5+$0x0], $0xffff  }
0xf7: {  	[tilespmem:s22+$0x10] =	vst v0  }
0xf8: {  	[tilespmem:s22+$0x20] =	vst v1  }
0xf9: {  	[tilespmem:s22+$0x30] =	vst v2  }
0xfa: {  	[tilespmem:s22+$0x40] =	vst v3  }
0xfb: {  	s23 =	sadd.s32 s21, s10;
	s24 =	simm.s32 $0x1C700;
	[tilespmem:s22+$0x50] =	vst v4  }
0xfc: {  	s25 =	simm.s32 $0x1C800;
	s26 =	sadd.s32 $0x0, s23;
	[tilespmem:s22+$0x60] =	vst v5;
	s22 =	simm.s32 $0x80  }
.LBB2_13:
0xfd: {  	[hbm4b:s26+s5] =	stream.linear.scatter [tilespmem:s24], [sflag:$0x1], $0x80, $0x38;
	[tilespmem:$0x1E700] =	vst v63  }
0xfe: {  	s26 =	smov.u32 s22;
	s24 =	smov.u32 s25;
	p0 =	sne.s32 s22, $0xF80  }
.Ltmp5:
0xff: {  	s22 =	sadd.s32 $0x80, s22;
	(pc) =	sbr.rel @p0 .LBB2_13-.Ltmp5, $2  }
0x100: {  	_ =	sdelay $0x2  }
0x101: {  	s25 =	sadd.s32 $0x100, s25;
	s26 =	sadd.s32 s26, s23  }
0x102: {  	[hbm4b:s26+s5] =	stream.linear.scatter [tilespmem:s24], [sflag:$0x1], $0x80, $0x38;
	[tilespmem:$0x1E700] =	vst v63  }
0x103: {  	_ =	swait.ge [sflag:s18], $0x1000  }
0x104: {  	[sflag:s18] =	ssyncset.done $0x0  }
0x105: {  	s22 =	simm.s32 $0x1B7F0;
	[sflag:s18] =	ssyncadd.s32 $0xFFFFF000  }
0x106: {  	v0 =	vld [tilespmem:s22+$0x0]  }
0x107: {  	v1 =	vld [tilespmem:s22+$0xFFFFFF20]  }
0x108: {  	v2 =	vld [tilespmem:s22+$0xFFFFFF30]  }
0x109: {  	v3 =	vld [tilespmem:s22+$0xFFFFFF40]  }
0x10a: {  	v4 =	vld [tilespmem:s22+$0xFFFFFF50]  }
0x10b: {  	v5 =	vld [tilespmem:s22+$0xFFFFFF60]  }
0x10c: {  	v6 =	vld [tilespmem:s22+$0xFFFFFF70]  }
0x10d: {  	v7 =	vld [tilespmem:s22+$0xFFFFFF80]  }
0x10e: {  	v8 =	vld [tilespmem:s22+$0xFFFFFF90]  }
0x10f: {  	v9 =	vld [tilespmem:s22+$0xFFFFFFA0]  }
0x110: {  	v10 =	vld [tilespmem:s22+$0xFFFFFFB0]  }
0x111: {  	v11 =	vld [tilespmem:s22+$0xFFFFFFC0]  }
0x112: {  	v12 =	vld [tilespmem:s22+$0xFFFFFFD0]  }
0x113: {  	v13 =	vld [tilespmem:s22+$0xFFFFFFE0]  }
0x114: {  	v14 =	vld [tilespmem:s22+$0xFFFFFFF0]  }
0x115: {  	v15 =	vld [tilespmem:s22+$0xFFFFFF10]  }
0x116: {  	v0 =	vld.idx.msk [tilespmem:v0+s5+$0x0], $0xffff  }
0x117: {  	v1 =	vld.idx.msk [tilespmem:v1+s5+$0x0], $0xffff  }
0x118: {  	v2 =	vld.idx.msk [tilespmem:v2+s5+$0x0], $0xffff  }
0x119: {  	v3 =	vld.idx.msk [tilespmem:v3+s5+$0x0], $0xffff  }
0x11a: {  	v4 =	vld.idx.msk [tilespmem:v4+s5+$0x0], $0xffff  }
0x11b: {  	s22 =	simm.s32 $0x1C880;
	v5 =	vld.idx.msk [tilespmem:v5+s5+$0x0], $0xffff  }
0x11c: {  	v6 =	vld.idx.msk [tilespmem:v6+s5+$0x0], $0xffff;
	[tilespmem:s22+$0x70] =	vst v0  }
0x11d: {  	v7 =	vld.idx.msk [tilespmem:v7+s5+$0x0], $0xffff;
	[tilespmem:s22+$0xFFFFFF10] =	vst v1  }
0x11e: {  	v15 =	vld.idx.msk [tilespmem:v15+s5+$0x0], $0xffff;
	[tilespmem:s22+$0xFFFFFF20] =	vst v2  }
0x11f: {  	v8 =	vld.idx.msk [tilespmem:v8+s5+$0x0], $0xffff;
	[tilespmem:s22+$0xFFFFFF30] =	vst v3  }
0x120: {  	[tilespmem:s22+$0xFFFFFF40] =	vst v4;
	v0 =	vld.idx.msk [tilespmem:v9+s5+$0x0], $0xffff  }
0x121: {  	[tilespmem:s22+$0xFFFFFF50] =	vst v5;
	v1 =	vld.idx.msk [tilespmem:v10+s5+$0x0], $0xffff  }
0x122: {  	[tilespmem:s22+$0xFFFFFF60] =	vst v6;
	v2 =	vld.idx.msk [tilespmem:v11+s5+$0x0], $0xffff  }
0x123: {  	[tilespmem:s22+$0xFFFFFF70] =	vst v7;
	v3 =	vld.idx.msk [tilespmem:v12+s5+$0x0], $0xffff  }
0x124: {  	[tilespmem:s22+$0xFFFFFF00] =	vst v15;
	v4 =	vld.idx.msk [tilespmem:v13+s5+$0x0], $0xffff  }
0x125: {  	s23 =	simm.s32 $0x0;
	s24 =	simm.s32 $0x1B8F0;
	[tilespmem:s22+$0x0] =	vst v8;
	v5 =	vld.idx.msk [tilespmem:v14+s5+$0x0], $0xffff  }
.LBB2_15:
0x126: {  	v6 =	vld [tilespmem:s24+$0x0];
	s23 =	sadd.s32 $0x10, s23;
	[tilespmem:s22+$0x10] =	vst v0  }
0x127: {  	v0 =	vld [tilespmem:s24+$0xFFFFFF20];
	p0 =	slt.u32 s23, $0xF0;
	[tilespmem:s22+$0x20] =	vst v1  }
0x128: {  	v1 =	vld [tilespmem:s24+$0xFFFFFF30];
	[tilespmem:s22+$0x30] =	vst v2  }
0x129: {  	v2 =	vld [tilespmem:s24+$0xFFFFFF40];
	[tilespmem:s22+$0x40] =	vst v3  }
0x12a: {  	v3 =	vld [tilespmem:s24+$0xFFFFFF50];
	[tilespmem:s22+$0x50] =	vst v4  }
0x12b: {  	v4 =	vld [tilespmem:s24+$0xFFFFFF60];
	[tilespmem:s22+$0x60] =	vst v5  }
0x12c: {  	v5 =	vld [tilespmem:s24+$0xFFFFFF70]  }
0x12d: {  	v7 =	vld [tilespmem:s24+$0xFFFFFF80]  }
0x12e: {  	v6 =	vld.idx.msk [tilespmem:v6+s5+$0x0], $0xffff  }
0x12f: {  	v8 =	vld [tilespmem:s24+$0xFFFFFF90]  }
0x130: {  	v9 =	vld [tilespmem:s24+$0xFFFFFFA0]  }
0x131: {  	v10 =	vld [tilespmem:s24+$0xFFFFFFB0]  }
0x132: {  	v11 =	vld [tilespmem:s24+$0xFFFFFFC0]  }
0x133: {  	s22 =	sadd.s32 $0x200, s22;
	v12 =	vld [tilespmem:s24+$0xFFFFFFD0]  }
0x134: {  	v13 =	vld [tilespmem:s24+$0xFFFFFFE0];
	[tilespmem:s22+$0x70] =	vst v6  }
0x135: {  	v6 =	vld [tilespmem:s24+$0xFFFFFFF0]  }
0x136: {  	v14 =	vld [tilespmem:s24+$0xFFFFFF10]  }
0x137: {  	v0 =	vld.idx.msk [tilespmem:v0+s5+$0x0], $0xffff  }
0x138: {  	v1 =	vld.idx.msk [tilespmem:v1+s5+$0x0], $0xffff  }
0x139: {  	v2 =	vld.idx.msk [tilespmem:v2+s5+$0x0], $0xffff  }
0x13a: {  	v3 =	vld.idx.msk [tilespmem:v3+s5+$0x0], $0xffff  }
0x13b: {  	v4 =	vld.idx.msk [tilespmem:v4+s5+$0x0], $0xffff  }
0x13c: {  	v5 =	vld.idx.msk [tilespmem:v5+s5+$0x0], $0xffff  }
0x13d: {  	[tilespmem:s22+$0xFFFFFF10] =	vst v0;
	v7 =	vld.idx.msk [tilespmem:v7+s5+$0x0], $0xffff  }
0x13e: {  	v14 =	vld.idx.msk [tilespmem:v14+s5+$0x0], $0xffff;
	[tilespmem:s22+$0xFFFFFF20] =	vst v1  }
0x13f: {  	[tilespmem:s22+$0xFFFFFF30] =	vst v2;
	v8 =	vld.idx.msk [tilespmem:v8+s5+$0x0], $0xffff  }
0x140: {  	[tilespmem:s22+$0xFFFFFF40] =	vst v3;
	v0 =	vld.idx.msk [tilespmem:v9+s5+$0x0], $0xffff  }
.Ltmp6:
0x141: {  	[tilespmem:s22+$0xFFFFFF50] =	vst v4;
	v1 =	vld.idx.msk [tilespmem:v10+s5+$0x0], $0xffff;
	(pc) =	sbr.rel @p0 .LBB2_15-.Ltmp6, $4  }
0x142: {  	[tilespmem:s22+$0xFFFFFF60] =	vst v5;
	v2 =	vld.idx.msk [tilespmem:v11+s5+$0x0], $0xffff  }
0x143: {  	[tilespmem:s22+$0xFFFFFF70] =	vst v7;
	v3 =	vld.idx.msk [tilespmem:v12+s5+$0x0], $0xffff  }
0x144: {  	[tilespmem:s22+$0xFFFFFF00] =	vst v14;
	v4 =	vld.idx.msk [tilespmem:v13+s5+$0x0], $0xffff  }
0x145: {  	s24 =	sadd.s32 $0x100, s24;
	[tilespmem:s22+$0x0] =	vst v8;
	v5 =	vld.idx.msk [tilespmem:v6+s5+$0x0], $0xffff  }
0x146: {  	[tilespmem:s22+$0x10] =	vst v0  }
0x147: {  	[tilespmem:s22+$0x20] =	vst v1  }
0x148: {  	[tilespmem:s22+$0x30] =	vst v2  }
0x149: {  	[tilespmem:s22+$0x40] =	vst v3  }
0x14a: {  	s21 =	sadd.s32 s21, s11;
	s23 =	simm.s32 $0x1C780;
	[tilespmem:s22+$0x50] =	vst v4  }
0x14b: {  	s24 =	simm.s32 $0x1C880;
	s25 =	sadd.s32 $0x0, s21;
	[tilespmem:s22+$0x60] =	vst v5;
	s22 =	simm.s32 $0x80  }
.LBB2_17:
0x14c: {  	[hbm4b:s25+s5] =	stream.linear.scatter [tilespmem:s23], [sflag:$0x2], $0x80, $0x38;
	[tilespmem:$0x1E700] =	vst v63  }
0x14d: {  	s25 =	smov.u32 s22;
	s23 =	smov.u32 s24;
	p0 =	sne.s32 s22, $0xF80  }
.Ltmp7:
0x14e: {  	s22 =	sadd.s32 $0x80, s22;
	(pc) =	sbr.rel @p0 .LBB2_17-.Ltmp7, $2  }
0x14f: {  	_ =	sdelay $0x2  }
0x150: {  	s24 =	sadd.s32 $0x100, s24;
	s25 =	sadd.s32 s25, s21  }
0x151: {  	[hbm4b:s25+s5] =	stream.linear.scatter [tilespmem:s23], [sflag:$0x2], $0x80, $0x38;
	[tilespmem:$0x1E700] =	vst v63  }
0x152: {  	s20 =	sadd.s32 $0x1, s20  }
0x153: {  	_ =	swait.ge [sflag:s17], $0x1000;
	p0 =	sne.s32 s20, $0x1A  }
.Ltmp8:
0x154: {  	[sflag:s17] =	ssyncset.done $0x0;
	(pc) =	sbr.rel @p0 .LBB2_2-.Ltmp8, $4  }
0x155: {  	[sflag:s17] =	ssyncadd.s32 $0xFFFFF000  }
0x156: {  	_ =	swait.ge [sflag:s18], $0x1000  }
0x157: {  	[sflag:s18] =	ssyncset.done $0x0  }
0x158: {  	[sflag:s18] =	ssyncadd.s32 $0xFFFFF000  }
0x159: {  	s19 =	sadd.s32 $0x1, s19  }
0x15a: {  	p0 =	sne.s32 s19, s12  }
.Ltmp9:
0x15b: {  	_ = 	snop;
	(pc) =	sbr.rel @p0 .LBB2_1-.Ltmp9, $1  }
0x15c: {  	_ =	sdelay $0x3  }
0x15d: {  	_ =	sfence.sel $0x180000  }
0x15e: {  	[bflag:$0x0] =	sbarrier.arrive $0xFFFF  }
0x15f: {  	p0 =	sne.s32 s4, $0x0;
	_ =	strace $0x90000047  }
0x160: {  	s0 =	sadd.s32 @!p0 $0x100000, s0;
	[bflag:$0x2] =	sbarrier.arrive $0xFFFF  }
0x161: {  	[sflag:s0] =	ssyncadd.tile.s32 @!p0 $0x1;
	_ =	shalt  }
.Lfunc_end2:
_tile_overlayer_lowered:
.L_overlay_start_2:
0x162: {  	(tag) =	ssettag $0x2  }
0x163: {  	s0 =	rddreg [dreg:$0x0];
	s2 =	stileid.u32  }
0x164: {  	s1 =	rddreg [dreg:$0x1];
	p0 =	sne.s32 s2, $0x0  }
0x165: {  	s3 =	rddreg [dreg:$0x2];
	[bflag:$0x3] =	sbarrier.arrive $0xFFFF;
	s2 =	simm.s32 @!p0 $0x1C03  }
0x166: {  	[timem:s3], [sflag:s2] =	dma.local @!p0 [hbm:s0], s1  }
0x167: {  	s0 =	simm.s32 @!p0 $0x3  }
0x168: {  	_ =	swait.ge @!p0 [sflag:s0], s1  }
0x169: {  	s1 =	ssub.s32 @!p0 $0x0, s1;
	[sflag:s0] =	ssyncset.done @!p0 $0x0  }
0x16a: {  	[sflag:s0] =	ssyncadd.s32 @!p0 s1  }
0x16b: {  	[bflag:$0x3] =	sbarrier.arrive $0xFFFF  }
0x16c: {  	_ =	shalt  }

</sc_bundles>
